<compile_context>
chip_gen: v7x
topology: tpu7x:2x2x1
jax: 0.10.2.dev20260603
libtpu: 0.0.44.dev20260713+nightly
codegen_flags: <defaults>
</compile_context>

<pallas_src>
import jax
import jax.numpy as jnp
from jax import lax
from jax.experimental import pallas as pl
from jax.experimental.pallas import tpu as pltpu
from jax.experimental.pallas import tpu_sc as plsc

N = 27554
K = 9
NLANE = 16
NTILES = 32
CHUNK = 864
VLAST = N - (NTILES - 1) * CHUNK
GROUPS = CHUNK // NLANE
DP = 27568
BP = 27552
CP = 872
INV_COUNT = 1.0 / (3.0 * N)

DELTA_D = [(c * N) % 8 for c in range(3)]
DELTA_I = [(j * N) % 8 for j in range(K)]


def _final_body(p_ref, o_ref):
    o_ref[...] = (jnp.sum(p_ref[...]) * INV_COUNT).reshape(1, 1)


def _sc_body(d_hbm, idx_hbm, aw_hbm, lw_hbm, out_hbm,
             d_v, idx_v, aw_v, lw_v, acc_v, d_sp, sem):
    cid = lax.axis_index("c")
    sid = lax.axis_index("s")
    wid = sid * 2 + cid
    base = wid * CHUNK

    @pl.when(sid == 0)
    def _stage_d():
        copies = []
        for c in range(3):
            src = c * N - DELTA_D[c]
            copies.append(pltpu.async_copy(
                d_hbm.at[pl.ds(src, BP)],
                d_sp.at[pl.ds(c * BP, BP)], sem))
        for cp in copies:
            cp.wait()

    tail_copies = []
    for c in range(3):
        src = c * N - DELTA_D[c] + BP
        tail_copies.append(pltpu.async_copy(
            d_hbm.at[pl.ds(src, 2 + DELTA_D[c])],
            d_v.at[pl.ds(c * DP + BP, 2 + DELTA_D[c])], sem))

    @pl.when(wid != NTILES - 1)
    def _full_chunk():
        copies = []
        for j in range(K):
            src = j * N + base - DELTA_I[j]
            copies.append(pltpu.async_copy(
                idx_hbm.at[pl.ds(src, CHUNK + DELTA_I[j])],
                idx_v.at[pl.ds(j * CP, CHUNK + DELTA_I[j])], sem))
        copies.append(pltpu.async_copy(
            aw_hbm.at[pl.ds(base, CHUNK)], aw_v, sem))
        copies.append(pltpu.async_copy(
            lw_hbm.at[pl.ds(base, CHUNK)], lw_v, sem))
        for cp in copies:
            cp.wait()

    @pl.when(wid == NTILES - 1)
    def _tail_chunk():
        copies = []
        for j in range(K):
            src = j * N + base - DELTA_I[j]
            copies.append(pltpu.async_copy(
                idx_hbm.at[pl.ds(src, VLAST + DELTA_I[j])],
                idx_v.at[pl.ds(j * CP, VLAST + DELTA_I[j])], sem))
        copies.append(pltpu.async_copy(
            aw_hbm.at[pl.ds(base, VLAST)], aw_v.at[pl.ds(0, VLAST)], sem))
        copies.append(pltpu.async_copy(
            lw_hbm.at[pl.ds(base, VLAST)], lw_v.at[pl.ds(0, VLAST)], sem))
        for cp in copies:
            cp.wait()

    for cp in tail_copies:
        cp.wait()
    plsc.subcore_barrier()
    d_copies = []
    for c in range(3):
        d_copies.append(pltpu.async_copy(
            d_sp.at[pl.ds(c * BP, BP)], d_v.at[pl.ds(c * DP, BP)], sem))
    for cp in d_copies:
        cp.wait()

    iota = lax.iota(jnp.int32, NLANE)
    nmax = jnp.full((NLANE,), N - 1, jnp.int32)
    zero = jnp.zeros((NLANE,), jnp.int32)
    pc = [c * DP + DELTA_D[c] for c in range(3)]

    def group(g, acc):
        vb = g * NLANE
        vglob = base + vb + iota
        vmin = jnp.minimum(vglob, nmax)
        s0 = plsc.load_gather(d_v, [vmin + pc[0]])
        s1 = plsc.load_gather(d_v, [vmin + pc[1]])
        s2 = plsc.load_gather(d_v, [vmin + pc[2]])
        a0 = jnp.zeros((NLANE,), jnp.float32)
        a1 = jnp.zeros((NLANE,), jnp.float32)
        a2 = jnp.zeros((NLANE,), jnp.float32)
        for j in range(K):
            nb = plsc.load_gather(idx_v, [vb + iota + (j * CP + DELTA_I[j])])
            nb = jnp.minimum(jnp.maximum(nb, zero), nmax)
            a0 = a0 + plsc.load_gather(d_v, [nb + pc[0]])
            a1 = a1 + plsc.load_gather(d_v, [nb + pc[1]])
            a2 = a2 + plsc.load_gather(d_v, [nb + pc[2]])
        rw = 1.0 / aw_v[pl.ds(vb, NLANE)]
        r0 = s0 - a0 * rw
        r1 = s1 - a1 * rw
        r2 = s2 - a2 * rw
        lwt = lw_v[pl.ds(vb, NLANE)]
        term = (r0 * r0 + r1 * r1 + r2 * r2) * lwt
        term = jnp.where(vglob < N, term, 0.0)
        return acc + term

    acc = lax.fori_loop(0, GROUPS, group, jnp.zeros((NLANE,), jnp.float32))
    acc_v[...] = acc
    pltpu.sync_copy(acc_v, out_hbm.at[pl.ds(wid * NLANE, NLANE)])


_sc_call = pl.kernel(
    _sc_body,
    out_type=jax.ShapeDtypeStruct((NTILES * NLANE,), jnp.float32),
    mesh=plsc.VectorSubcoreMesh(core_axis_name="c", subcore_axis_name="s"),
    compiler_params=pltpu.CompilerParams(
        needs_layout_passes=False, use_tc_tiling_on_sc=False),
    scratch_types=[
        pltpu.VMEM((3 * DP,), jnp.float32),
        pltpu.VMEM((K * CP,), jnp.int32),
        pltpu.VMEM((CHUNK,), jnp.float32),
        pltpu.VMEM((CHUNK,), jnp.float32),
        pltpu.VMEM((NLANE,), jnp.float32),
        pltpu.VMEM_SHARED((3 * BP,), jnp.float32),
        pltpu.SemaphoreType.DMA,
    ],
)


def kernel(v_1, v_2, adjacency_idx, adjacency_w, laplace_w):
    d_flat = (v_1 - v_2).T.reshape(3 * N)
    idx_flat = adjacency_idx.astype(jnp.int32).T.reshape(K * N)
    partials = _sc_call(
        d_flat, idx_flat, adjacency_w.reshape(N), laplace_w.reshape(N)
    ).reshape(NTILES, NLANE)
    out = pl.pallas_call(
        _final_body,
        out_shape=jax.ShapeDtypeStruct((1, 1), jnp.float32),
    )(partials)
    return out.reshape(())

# --- scband reference (transcript-rebuilt; emitter-appended) ---
"""Pipeline reference for scband-laplacian-loss-65146063945795 (READ-ONLY COPY).

The authoritative reference and input builder live on the scoring server;
editing this copy changes nothing except your own understanding.
"""

import jax, jax.numpy as jnp
import numpy as np

N = 27554

def setup_inputs(seed: int = 0) -> dict:
    key = jax.random.key(seed)
    k1, k2, k3, k4, k5 = jax.random.split(key, 5)
    v_1 = jax.random.normal(k1, (N, 3), dtype=jnp.float32)
    v_2 = jax.random.normal(k2, (N, 3), dtype=jnp.float32)
    adjacency_idx = jax.random.randint(k3, (N, 9), 0, N, dtype=jnp.int64)
    # degree-like weights (strictly positive, avoid div-by-zero in reciprocal)
    adjacency_w = jax.random.uniform(k4, (N, 1), dtype=jnp.float32, minval=6.0, maxval=9.0)
    # per-vertex regularization weights (mimics regularize_laplace output)
    laplace_w = jax.random.uniform(k5, (N, 1), dtype=jnp.float32, minval=1.0, maxval=30.0)
    return {"v_1": v_1, "v_2": v_2, "adjacency_idx": adjacency_idx, "adjacency_w": adjacency_w, "laplace_w": laplace_w}


def _laplace_coord(v, adjacency_idx, adjacency_w):
    # append a zero row used as padding target (index N would map here)
    vertex = jnp.concatenate([v, jnp.zeros((1, 3), dtype=v.dtype)], axis=0)
    indices = adjacency_idx.reshape((-1,))
    weights = jnp.reciprocal(adjacency_w).reshape((-1, 1))  # [N,1], broadcasts over 3
    vertices = jnp.take(vertex, indices, axis=0).reshape((v.shape[0], -1, 3))
    laplace = jnp.sum(vertices, axis=1)
    laplace_vertex = v - laplace * weights
    return laplace_vertex


def reference(v_1, v_2, adjacency_idx, adjacency_w, laplace_w):
    lap1 = _laplace_coord(v_1, adjacency_idx, adjacency_w)
    lap2 = _laplace_coord(v_2, adjacency_idx, adjacency_w)
    laplace_loss = jnp.square(lap1 - lap2)
    laplace_loss = jnp.mean(laplace_loss * laplace_w)
    return laplace_loss

if __name__ == "__main__":
    import jax
    _d = setup_inputs()
    print(jax.jit(kernel)(*tuple(_d.values())))

</pallas_src>

<mosaic_0001>
#map = affine_map<(d0, d1) -> (0)>
module attributes {stable_mosaic.version = 14 : i64} {
  func.func @_sc_body(%arg0: i32, %arg1: i32, %arg2: memref<82662xf32, #tpu.memory_space<hbm>>, %arg3: memref<247986xi32, #tpu.memory_space<hbm>>, %arg4: memref<27554xf32, #tpu.memory_space<hbm>>, %arg5: memref<27554xf32, #tpu.memory_space<hbm>>, %arg6: memref<512xf32, #tpu.memory_space<hbm>>, %arg7: memref<82704xf32, #tpu.memory_space<vmem>>, %arg8: memref<7848xi32, #tpu.memory_space<vmem>>, %arg9: memref<864xf32, #tpu.memory_space<vmem>>, %arg10: memref<864xf32, #tpu.memory_space<vmem>>, %arg11: memref<16xf32, #tpu.memory_space<vmem>>, %arg12: memref<82656xf32, #tpu.memory_space<vmem_shared>>, %arg13: memref<!tpu.dma_semaphore, #tpu.memory_space<semaphore_mem>>) attributes {dimension_semantics = [#tpu.dimension_semantics<core_parallel>, #tpu.dimension_semantics<subcore_parallel>], iteration_bounds = array<i64: 2, 16>, scalar_prefetch = 0 : i64, scratch_operands = 7 : i64, tpu.core_type = #tpu.core_type<sc_vector_subcore>, window_params = [{transform_indices = #map}, {transform_indices = #map}, {transform_indices = #map}, {transform_indices = #map}, {transform_indices = #map}]} {
    %mul3A = arith.constant 2 : i32
    %mul3A_0 = arith.muli %arg1, %mul3A : i32
    %add3A = arith.addi %mul3A_0, %arg0 : i32
    %mul3A_1 = arith.constant 864 : i32
    %mul3A_2 = arith.muli %add3A, %mul3A_1 : i32
    %eq3A = arith.constant 0 : i32
    %eq3A_3 = arith.cmpi eq, %arg1, %eq3A : i32
    %convert_element_type3A = arith.extui %eq3A_3 : i1 to i32
    %cond3A = arith.constant 0 : i32
    %cond3A_4 = arith.cmpi ne, %convert_element_type3A, %cond3A : i32
    scf.if %cond3A_4 {
      %dma_start3A_121 = arith.constant 0 : i32
      %dma_start3A_122 = tpu.memref_slice %arg12[%dma_start3A_121] : memref<82656xf32, #tpu.memory_space<vmem_shared>> -> memref<27552xf32, #tpu.memory_space<vmem_shared>>
      %dma_start3A_123 = arith.constant 0 : i32
      %dma_start3A_124 = tpu.memref_slice %arg2[%dma_start3A_123] : memref<82662xf32, #tpu.memory_space<hbm>> -> memref<27552xf32, #tpu.memory_space<hbm>>
      tpu.enqueue_dma source(%dma_start3A_124 : memref<27552xf32, #tpu.memory_space<hbm>>) target(%dma_start3A_122 : memref<27552xf32, #tpu.memory_space<vmem_shared>>) target_semaphore(%arg13 : memref<!tpu.dma_semaphore, #tpu.memory_space<semaphore_mem>>)
      %dma_start3A_125 = arith.constant 27552 : i32
      %dma_start3A_126 = tpu.memref_slice %arg12[%dma_start3A_125] : memref<82656xf32, #tpu.memory_space<vmem_shared>> -> memref<27552xf32, #tpu.memory_space<vmem_shared>>
      %dma_start3A_127 = arith.constant 27552 : i32
      %dma_start3A_128 = tpu.memref_slice %arg2[%dma_start3A_127] : memref<82662xf32, #tpu.memory_space<hbm>> -> memref<27552xf32, #tpu.memory_space<hbm>>
      tpu.enqueue_dma source(%dma_start3A_128 : memref<27552xf32, #tpu.memory_space<hbm>>) target(%dma_start3A_126 : memref<27552xf32, #tpu.memory_space<vmem_shared>>) target_semaphore(%arg13 : memref<!tpu.dma_semaphore, #tpu.memory_space<semaphore_mem>>)
      %dma_start3A_129 = arith.constant 55104 : i32
      %dma_start3A_130 = tpu.memref_slice %arg12[%dma_start3A_129] : memref<82656xf32, #tpu.memory_space<vmem_shared>> -> memref<27552xf32, #tpu.memory_space<vmem_shared>>
      %dma_start3A_131 = arith.constant 55104 : i32
      %dma_start3A_132 = tpu.memref_slice %arg2[%dma_start3A_131] : memref<82662xf32, #tpu.memory_space<hbm>> -> memref<27552xf32, #tpu.memory_space<hbm>>
      tpu.enqueue_dma source(%dma_start3A_132 : memref<27552xf32, #tpu.memory_space<hbm>>) target(%dma_start3A_130 : memref<27552xf32, #tpu.memory_space<vmem_shared>>) target_semaphore(%arg13 : memref<!tpu.dma_semaphore, #tpu.memory_space<semaphore_mem>>)
      %dma_wait3A_133 = arith.constant 0 : i32
      %dma_wait3A_134 = tpu.memref_slice %arg12[%dma_wait3A_133] : memref<82656xf32, #tpu.memory_space<vmem_shared>> -> memref<27552xf32, #tpu.memory_space<vmem_shared>>
      %dma_wait3A_135 = arith.constant 0 : i32
      %dma_wait3A_136 = tpu.memref_slice %arg2[%dma_wait3A_135] : memref<82662xf32, #tpu.memory_space<hbm>> -> memref<27552xf32, #tpu.memory_space<hbm>>
      tpu.wait_dma2 semaphore(%arg13 : memref<!tpu.dma_semaphore, #tpu.memory_space<semaphore_mem>>) src(%dma_wait3A_136 : memref<27552xf32, #tpu.memory_space<hbm>>) dst(%dma_wait3A_134 : memref<27552xf32, #tpu.memory_space<vmem_shared>>)
      %dma_wait3A_137 = arith.constant 27552 : i32
      %dma_wait3A_138 = tpu.memref_slice %arg12[%dma_wait3A_137] : memref<82656xf32, #tpu.memory_space<vmem_shared>> -> memref<27552xf32, #tpu.memory_space<vmem_shared>>
      %dma_wait3A_139 = arith.constant 27552 : i32
      %dma_wait3A_140 = tpu.memref_slice %arg2[%dma_wait3A_139] : memref<82662xf32, #tpu.memory_space<hbm>> -> memref<27552xf32, #tpu.memory_space<hbm>>
      tpu.wait_dma2 semaphore(%arg13 : memref<!tpu.dma_semaphore, #tpu.memory_space<semaphore_mem>>) src(%dma_wait3A_140 : memref<27552xf32, #tpu.memory_space<hbm>>) dst(%dma_wait3A_138 : memref<27552xf32, #tpu.memory_space<vmem_shared>>)
      %dma_wait3A_141 = arith.constant 55104 : i32
      %dma_wait3A_142 = tpu.memref_slice %arg12[%dma_wait3A_141] : memref<82656xf32, #tpu.memory_space<vmem_shared>> -> memref<27552xf32, #tpu.memory_space<vmem_shared>>
      %dma_wait3A_143 = arith.constant 55104 : i32
      %dma_wait3A_144 = tpu.memref_slice %arg2[%dma_wait3A_143] : memref<82662xf32, #tpu.memory_space<hbm>> -> memref<27552xf32, #tpu.memory_space<hbm>>
      tpu.wait_dma2 semaphore(%arg13 : memref<!tpu.dma_semaphore, #tpu.memory_space<semaphore_mem>>) src(%dma_wait3A_144 : memref<27552xf32, #tpu.memory_space<hbm>>) dst(%dma_wait3A_142 : memref<27552xf32, #tpu.memory_space<vmem_shared>>)
    } else {
    }
    %dma_start3A = arith.constant 27552 : i32
    %dma_start3A_5 = tpu.memref_slice %arg7[%dma_start3A] : memref<82704xf32, #tpu.memory_space<vmem>> -> memref<2xf32, #tpu.memory_space<vmem>>
    %dma_start3A_6 = arith.constant 27552 : i32
    %dma_start3A_7 = tpu.memref_slice %arg2[%dma_start3A_6] : memref<82662xf32, #tpu.memory_space<hbm>> -> memref<2xf32, #tpu.memory_space<hbm>>
    %dma_start3A_8 = arith.constant 27552 : i32
    %dma_start3A_9 = tpu.memref_slice %arg7[%dma_start3A_8] : memref<82704xf32, #tpu.memory_space<vmem>> -> memref<2xf32, #tpu.memory_space<vmem>>
    %dma_start3A_10 = arith.constant 27552 : i32
    %dma_start3A_11 = tpu.memref_slice %arg2[%dma_start3A_10] : memref<82662xf32, #tpu.memory_space<hbm>> -> memref<2xf32, #tpu.memory_space<hbm>>
    tpu.enqueue_dma source(%dma_start3A_11 : memref<2xf32, #tpu.memory_space<hbm>>) target(%dma_start3A_9 : memref<2xf32, #tpu.memory_space<vmem>>) target_semaphore(%arg13 : memref<!tpu.dma_semaphore, #tpu.memory_space<semaphore_mem>>)
    %dma_start3A_12 = arith.constant 55120 : i32
    %dma_start3A_13 = tpu.memref_slice %arg7[%dma_start3A_12] : memref<82704xf32, #tpu.memory_space<vmem>> -> memref<4xf32, #tpu.memory_space<vmem>>
    %dma_start3A_14 = arith.constant 55104 : i32
    %dma_start3A_15 = tpu.memref_slice %arg2[%dma_start3A_14] : memref<82662xf32, #tpu.memory_space<hbm>> -> memref<4xf32, #tpu.memory_space<hbm>>
    %dma_start3A_16 = arith.constant 55120 : i32
    %dma_start3A_17 = tpu.memref_slice %arg7[%dma_start3A_16] : memref<82704xf32, #tpu.memory_space<vmem>> -> memref<4xf32, #tpu.memory_space<vmem>>
    %dma_start3A_18 = arith.constant 55104 : i32
    %dma_start3A_19 = tpu.memref_slice %arg2[%dma_start3A_18] : memref<82662xf32, #tpu.memory_space<hbm>> -> memref<4xf32, #tpu.memory_space<hbm>>
    tpu.enqueue_dma source(%dma_start3A_19 : memref<4xf32, #tpu.memory_space<hbm>>) target(%dma_start3A_17 : memref<4xf32, #tpu.memory_space<vmem>>) target_semaphore(%arg13 : memref<!tpu.dma_semaphore, #tpu.memory_space<semaphore_mem>>)
    %dma_start3A_20 = arith.constant 82688 : i32
    %dma_start3A_21 = tpu.memref_slice %arg7[%dma_start3A_20] : memref<82704xf32, #tpu.memory_space<vmem>> -> memref<6xf32, #tpu.memory_space<vmem>>
    %dma_start3A_22 = arith.constant 82656 : i32
    %dma_start3A_23 = tpu.memref_slice %arg2[%dma_start3A_22] : memref<82662xf32, #tpu.memory_space<hbm>> -> memref<6xf32, #tpu.memory_space<hbm>>
    %dma_start3A_24 = arith.constant 82688 : i32
    %dma_start3A_25 = tpu.memref_slice %arg7[%dma_start3A_24] : memref<82704xf32, #tpu.memory_space<vmem>> -> memref<6xf32, #tpu.memory_space<vmem>>
    %dma_start3A_26 = arith.constant 82656 : i32
    %dma_start3A_27 = tpu.memref_slice %arg2[%dma_start3A_26] : memref<82662xf32, #tpu.memory_space<hbm>> -> memref<6xf32, #tpu.memory_space<hbm>>
    tpu.enqueue_dma source(%dma_start3A_27 : memref<6xf32, #tpu.memory_space<hbm>>) target(%dma_start3A_25 : memref<6xf32, #tpu.memory_space<vmem>>) target_semaphore(%arg13 : memref<!tpu.dma_semaphore, #tpu.memory_space<semaphore_mem>>)
    %ne3A = arith.constant 31 : i32
    %ne3A_28 = arith.cmpi ne, %add3A, %ne3A : i32
    %convert_element_type3A_29 = arith.extui %ne3A_28 : i1 to i32
    %cond3A_30 = arith.constant 0 : i32
    %cond3A_31 = arith.cmpi ne, %convert_element_type3A_29, %cond3A_30 : i32
    scf.if %cond3A_31 {
      %add3A_121 = arith.constant 0 : i32
      %add3A_122 = arith.addi %add3A_121, %mul3A_2 : i32
      %sub3A = arith.constant 0 : i32
      %sub3A_123 = arith.subi %add3A_122, %sub3A : i32
      %dma_start3A_124 = arith.constant 0 : i32
      %dma_start3A_125 = tpu.memref_slice %arg8[%dma_start3A_124] : memref<7848xi32, #tpu.memory_space<vmem>> -> memref<864xi32, #tpu.memory_space<vmem>>
      %dma_start3A_126 = tpu.memref_slice %arg3[%sub3A_123] : memref<247986xi32, #tpu.memory_space<hbm>> -> memref<864xi32, #tpu.memory_space<hbm>>
      %dma_start3A_127 = arith.constant 0 : i32
      %dma_start3A_128 = tpu.memref_slice %arg8[%dma_start3A_127] : memref<7848xi32, #tpu.memory_space<vmem>> -> memref<864xi32, #tpu.memory_space<vmem>>
      %dma_start3A_129 = tpu.memref_slice %arg3[%sub3A_123] : memref<247986xi32, #tpu.memory_space<hbm>> -> memref<864xi32, #tpu.memory_space<hbm>>
      tpu.enqueue_dma source(%dma_start3A_129 : memref<864xi32, #tpu.memory_space<hbm>>) target(%dma_start3A_128 : memref<864xi32, #tpu.memory_space<vmem>>) target_semaphore(%arg13 : memref<!tpu.dma_semaphore, #tpu.memory_space<semaphore_mem>>)
      %add3A_130 = arith.constant 27554 : i32
      %add3A_131 = arith.addi %add3A_130, %mul3A_2 : i32
      %sub3A_132 = arith.constant 2 : i32
      %sub3A_133 = arith.subi %add3A_131, %sub3A_132 : i32
      %dma_start3A_134 = arith.constant 872 : i32
      %dma_start3A_135 = tpu.memref_slice %arg8[%dma_start3A_134] : memref<7848xi32, #tpu.memory_space<vmem>> -> memref<866xi32, #tpu.memory_space<vmem>>
      %dma_start3A_136 = tpu.memref_slice %arg3[%sub3A_133] : memref<247986xi32, #tpu.memory_space<hbm>> -> memref<866xi32, #tpu.memory_space<hbm>>
      %dma_start3A_137 = arith.constant 872 : i32
      %dma_start3A_138 = tpu.memref_slice %arg8[%dma_start3A_137] : memref<7848xi32, #tpu.memory_space<vmem>> -> memref<866xi32, #tpu.memory_space<vmem>>
      %dma_start3A_139 = tpu.memref_slice %arg3[%sub3A_133] : memref<247986xi32, #tpu.memory_space<hbm>> -> memref<866xi32, #tpu.memory_space<hbm>>
      tpu.enqueue_dma source(%dma_start3A_139 : memref<866xi32, #tpu.memory_space<hbm>>) target(%dma_start3A_138 : memref<866xi32, #tpu.memory_space<vmem>>) target_semaphore(%arg13 : memref<!tpu.dma_semaphore, #tpu.memory_space<semaphore_mem>>)
      %add3A_140 = arith.constant 55108 : i32
      %add3A_141 = arith.addi %add3A_140, %mul3A_2 : i32
      %sub3A_142 = arith.constant 4 : i32
      %sub3A_143 = arith.subi %add3A_141, %sub3A_142 : i32
      %dma_start3A_144 = arith.constant 1744 : i32
      %dma_start3A_145 = tpu.memref_slice %arg8[%dma_start3A_144] : memref<7848xi32, #tpu.memory_space<vmem>> -> memref<868xi32, #tpu.memory_space<vmem>>
      %dma_start3A_146 = tpu.memref_slice %arg3[%sub3A_143] : memref<247986xi32, #tpu.memory_space<hbm>> -> memref<868xi32, #tpu.memory_space<hbm>>
      %dma_start3A_147 = arith.constant 1744 : i32
      %dma_start3A_148 = tpu.memref_slice %arg8[%dma_start3A_147] : memref<7848xi32, #tpu.memory_space<vmem>> -> memref<868xi32, #tpu.memory_space<vmem>>
      %dma_start3A_149 = tpu.memref_slice %arg3[%sub3A_143] : memref<247986xi32, #tpu.memory_space<hbm>> -> memref<868xi32, #tpu.memory_space<hbm>>
      tpu.enqueue_dma source(%dma_start3A_149 : memref<868xi32, #tpu.memory_space<hbm>>) target(%dma_start3A_148 : memref<868xi32, #tpu.memory_space<vmem>>) target_semaphore(%arg13 : memref<!tpu.dma_semaphore, #tpu.memory_space<semaphore_mem>>)
      %add3A_150 = arith.constant 82662 : i32
      %add3A_151 = arith.addi %add3A_150, %mul3A_2 : i32
      %sub3A_152 = arith.constant 6 : i32
      %sub3A_153 = arith.subi %add3A_151, %sub3A_152 : i32
      %dma_start3A_154 = arith.constant 2616 : i32
      %dma_start3A_155 = tpu.memref_slice %arg8[%dma_start3A_154] : memref<7848xi32, #tpu.memory_space<vmem>> -> memref<870xi32, #tpu.memory_space<vmem>>
      %dma_start3A_156 = tpu.memref_slice %arg3[%sub3A_153] : memref<247986xi32, #tpu.memory_space<hbm>> -> memref<870xi32, #tpu.memory_space<hbm>>
      %dma_start3A_157 = arith.constant 2616 : i32
      %dma_start3A_158 = tpu.memref_slice %arg8[%dma_start3A_157] : memref<7848xi32, #tpu.memory_space<vmem>> -> memref<870xi32, #tpu.memory_space<vmem>>
      %dma_start3A_159 = tpu.memref_slice %arg3[%sub3A_153] : memref<247986xi32, #tpu.memory_space<hbm>> -> memref<870xi32, #tpu.memory_space<hbm>>
      tpu.enqueue_dma source(%dma_start3A_159 : memref<870xi32, #tpu.memory_space<hbm>>) target(%dma_start3A_158 : memref<870xi32, #tpu.memory_space<vmem>>) target_semaphore(%arg13 : memref<!tpu.dma_semaphore, #tpu.memory_space<semaphore_mem>>)
      %add3A_160 = arith.constant 110216 : i32
      %add3A_161 = arith.addi %add3A_160, %mul3A_2 : i32
      %sub3A_162 = arith.constant 0 : i32
      %sub3A_163 = arith.subi %add3A_161, %sub3A_162 : i32
      %dma_start3A_164 = arith.constant 3488 : i32
      %dma_start3A_165 = tpu.memref_slice %arg8[%dma_start3A_164] : memref<7848xi32, #tpu.memory_space<vmem>> -> memref<864xi32, #tpu.memory_space<vmem>>
      %dma_start3A_166 = tpu.memref_slice %arg3[%sub3A_163] : memref<247986xi32, #tpu.memory_space<hbm>> -> memref<864xi32, #tpu.memory_space<hbm>>
      %dma_start3A_167 = arith.constant 3488 : i32
      %dma_start3A_168 = tpu.memref_slice %arg8[%dma_start3A_167] : memref<7848xi32, #tpu.memory_space<vmem>> -> memref<864xi32, #tpu.memory_space<vmem>>
      %dma_start3A_169 = tpu.memref_slice %arg3[%sub3A_163] : memref<247986xi32, #tpu.memory_space<hbm>> -> memref<864xi32, #tpu.memory_space<hbm>>
      tpu.enqueue_dma source(%dma_start3A_169 : memref<864xi32, #tpu.memory_space<hbm>>) target(%dma_start3A_168 : memref<864xi32, #tpu.memory_space<vmem>>) target_semaphore(%arg13 : memref<!tpu.dma_semaphore, #tpu.memory_space<semaphore_mem>>)
      %add3A_170 = arith.constant 137770 : i32
      %add3A_171 = arith.addi %add3A_170, %mul3A_2 : i32
      %sub3A_172 = arith.constant 2 : i32
      %sub3A_173 = arith.subi %add3A_171, %sub3A_172 : i32
      %dma_start3A_174 = arith.constant 4360 : i32
      %dma_start3A_175 = tpu.memref_slice %arg8[%dma_start3A_174] : memref<7848xi32, #tpu.memory_space<vmem>> -> memref<866xi32, #tpu.memory_space<vmem>>
      %dma_start3A_176 = tpu.memref_slice %arg3[%sub3A_173] : memref<247986xi32, #tpu.memory_space<hbm>> -> memref<866xi32, #tpu.memory_space<hbm>>
      %dma_start3A_177 = arith.constant 4360 : i32
      %dma_start3A_178 = tpu.memref_slice %arg8[%dma_start3A_177] : memref<7848xi32, #tpu.memory_space<vmem>> -> memref<866xi32, #tpu.memory_space<vmem>>
      %dma_start3A_179 = tpu.memref_slice %arg3[%sub3A_173] : memref<247986xi32, #tpu.memory_space<hbm>> -> memref<866xi32, #tpu.memory_space<hbm>>
      tpu.enqueue_dma source(%dma_start3A_179 : memref<866xi32, #tpu.memory_space<hbm>>) target(%dma_start3A_178 : memref<866xi32, #tpu.memory_space<vmem>>) target_semaphore(%arg13 : memref<!tpu.dma_semaphore, #tpu.memory_space<semaphore_mem>>)
      %add3A_180 = arith.constant 165324 : i32
      %add3A_181 = arith.addi %add3A_180, %mul3A_2 : i32
      %sub3A_182 = arith.constant 4 : i32
      %sub3A_183 = arith.subi %add3A_181, %sub3A_182 : i32
      %dma_start3A_184 = arith.constant 5232 : i32
      %dma_start3A_185 = tpu.memref_slice %arg8[%dma_start3A_184] : memref<7848xi32, #tpu.memory_space<vmem>> -> memref<868xi32, #tpu.memory_space<vmem>>
      %dma_start3A_186 = tpu.memref_slice %arg3[%sub3A_183] : memref<247986xi32, #tpu.memory_space<hbm>> -> memref<868xi32, #tpu.memory_space<hbm>>
      %dma_start3A_187 = arith.constant 5232 : i32
      %dma_start3A_188 = tpu.memref_slice %arg8[%dma_start3A_187] : memref<7848xi32, #tpu.memory_space<vmem>> -> memref<868xi32, #tpu.memory_space<vmem>>
      %dma_start3A_189 = tpu.memref_slice %arg3[%sub3A_183] : memref<247986xi32, #tpu.memory_space<hbm>> -> memref<868xi32, #tpu.memory_space<hbm>>
      tpu.enqueue_dma source(%dma_start3A_189 : memref<868xi32, #tpu.memory_space<hbm>>) target(%dma_start3A_188 : memref<868xi32, #tpu.memory_space<vmem>>) target_semaphore(%arg13 : memref<!tpu.dma_semaphore, #tpu.memory_space<semaphore_mem>>)
      %add3A_190 = arith.constant 192878 : i32
      %add3A_191 = arith.addi %add3A_190, %mul3A_2 : i32
      %sub3A_192 = arith.constant 6 : i32
      %sub3A_193 = arith.subi %add3A_191, %sub3A_192 : i32
      %dma_start3A_194 = arith.constant 6104 : i32
      %dma_start3A_195 = tpu.memref_slice %arg8[%dma_start3A_194] : memref<7848xi32, #tpu.memory_space<vmem>> -> memref<870xi32, #tpu.memory_space<vmem>>
      %dma_start3A_196 = tpu.memref_slice %arg3[%sub3A_193] : memref<247986xi32, #tpu.memory_space<hbm>> -> memref<870xi32, #tpu.memory_space<hbm>>
      %dma_start3A_197 = arith.constant 6104 : i32
      %dma_start3A_198 = tpu.memref_slice %arg8[%dma_start3A_197] : memref<7848xi32, #tpu.memory_space<vmem>> -> memref<870xi32, #tpu.memory_space<vmem>>
      %dma_start3A_199 = tpu.memref_slice %arg3[%sub3A_193] : memref<247986xi32, #tpu.memory_space<hbm>> -> memref<870xi32, #tpu.memory_space<hbm>>
      tpu.enqueue_dma source(%dma_start3A_199 : memref<870xi32, #tpu.memory_space<hbm>>) target(%dma_start3A_198 : memref<870xi32, #tpu.memory_space<vmem>>) target_semaphore(%arg13 : memref<!tpu.dma_semaphore, #tpu.memory_space<semaphore_mem>>)
      %add3A_200 = arith.constant 220432 : i32
      %add3A_201 = arith.addi %add3A_200, %mul3A_2 : i32
      %sub3A_202 = arith.constant 0 : i32
      %sub3A_203 = arith.subi %add3A_201, %sub3A_202 : i32
      %dma_start3A_204 = arith.constant 6976 : i32
      %dma_start3A_205 = tpu.memref_slice %arg8[%dma_start3A_204] : memref<7848xi32, #tpu.memory_space<vmem>> -> memref<864xi32, #tpu.memory_space<vmem>>
      %dma_start3A_206 = tpu.memref_slice %arg3[%sub3A_203] : memref<247986xi32, #tpu.memory_space<hbm>> -> memref<864xi32, #tpu.memory_space<hbm>>
      %dma_start3A_207 = arith.constant 6976 : i32
      %dma_start3A_208 = tpu.memref_slice %arg8[%dma_start3A_207] : memref<7848xi32, #tpu.memory_space<vmem>> -> memref<864xi32, #tpu.memory_space<vmem>>
      %dma_start3A_209 = tpu.memref_slice %arg3[%sub3A_203] : memref<247986xi32, #tpu.memory_space<hbm>> -> memref<864xi32, #tpu.memory_space<hbm>>
      tpu.enqueue_dma source(%dma_start3A_209 : memref<864xi32, #tpu.memory_space<hbm>>) target(%dma_start3A_208 : memref<864xi32, #tpu.memory_space<vmem>>) target_semaphore(%arg13 : memref<!tpu.dma_semaphore, #tpu.memory_space<semaphore_mem>>)
      %dma_start3A_210 = tpu.memref_slice %arg4[%mul3A_2] : memref<27554xf32, #tpu.memory_space<hbm>> -> memref<864xf32, #tpu.memory_space<hbm>>
      %dma_start3A_211 = tpu.memref_slice %arg4[%mul3A_2] : memref<27554xf32, #tpu.memory_space<hbm>> -> memref<864xf32, #tpu.memory_space<hbm>>
      tpu.enqueue_dma source(%dma_start3A_211 : memref<864xf32, #tpu.memory_space<hbm>>) target(%arg9 : memref<864xf32, #tpu.memory_space<vmem>>) target_semaphore(%arg13 : memref<!tpu.dma_semaphore, #tpu.memory_space<semaphore_mem>>)
      %dma_start3A_212 = tpu.memref_slice %arg5[%mul3A_2] : memref<27554xf32, #tpu.memory_space<hbm>> -> memref<864xf32, #tpu.memory_space<hbm>>
      %dma_start3A_213 = tpu.memref_slice %arg5[%mul3A_2] : memref<27554xf32, #tpu.memory_space<hbm>> -> memref<864xf32, #tpu.memory_space<hbm>>
      tpu.enqueue_dma source(%dma_start3A_213 : memref<864xf32, #tpu.memory_space<hbm>>) target(%arg10 : memref<864xf32, #tpu.memory_space<vmem>>) target_semaphore(%arg13 : memref<!tpu.dma_semaphore, #tpu.memory_space<semaphore_mem>>)
      %dma_wait3A_214 = arith.constant 0 : i32
      %dma_wait3A_215 = tpu.memref_slice %arg8[%dma_wait3A_214] : memref<7848xi32, #tpu.memory_space<vmem>> -> memref<864xi32, #tpu.memory_space<vmem>>
      %dma_wait3A_216 = tpu.memref_slice %arg3[%sub3A_123] : memref<247986xi32, #tpu.memory_space<hbm>> -> memref<864xi32, #tpu.memory_space<hbm>>
      %dma_wait3A_217 = arith.constant 0 : i32
      %dma_wait3A_218 = tpu.memref_slice %arg8[%dma_wait3A_217] : memref<7848xi32, #tpu.memory_space<vmem>> -> memref<864xi32, #tpu.memory_space<vmem>>
      %dma_wait3A_219 = tpu.memref_slice %arg3[%sub3A_123] : memref<247986xi32, #tpu.memory_space<hbm>> -> memref<864xi32, #tpu.memory_space<hbm>>
      tpu.wait_dma2 semaphore(%arg13 : memref<!tpu.dma_semaphore, #tpu.memory_space<semaphore_mem>>) src(%dma_wait3A_219 : memref<864xi32, #tpu.memory_space<hbm>>) dst(%dma_wait3A_218 : memref<864xi32, #tpu.memory_space<vmem>>)
      %dma_wait3A_220 = arith.constant 872 : i32
      %dma_wait3A_221 = tpu.memref_slice %arg8[%dma_wait3A_220] : memref<7848xi32, #tpu.memory_space<vmem>> -> memref<866xi32, #tpu.memory_space<vmem>>
      %dma_wait3A_222 = tpu.memref_slice %arg3[%sub3A_133] : memref<247986xi32, #tpu.memory_space<hbm>> -> memref<866xi32, #tpu.memory_space<hbm>>
      %dma_wait3A_223 = arith.constant 872 : i32
      %dma_wait3A_224 = tpu.memref_slice %arg8[%dma_wait3A_223] : memref<7848xi32, #tpu.memory_space<vmem>> -> memref<866xi32, #tpu.memory_space<vmem>>
      %dma_wait3A_225 = tpu.memref_slice %arg3[%sub3A_133] : memref<247986xi32, #tpu.memory_space<hbm>> -> memref<866xi32, #tpu.memory_space<hbm>>
      tpu.wait_dma2 semaphore(%arg13 : memref<!tpu.dma_semaphore, #tpu.memory_space<semaphore_mem>>) src(%dma_wait3A_225 : memref<866xi32, #tpu.memory_space<hbm>>) dst(%dma_wait3A_224 : memref<866xi32, #tpu.memory_space<vmem>>)
      %dma_wait3A_226 = arith.constant 1744 : i32
      %dma_wait3A_227 = tpu.memref_slice %arg8[%dma_wait3A_226] : memref<7848xi32, #tpu.memory_space<vmem>> -> memref<868xi32, #tpu.memory_space<vmem>>
      %dma_wait3A_228 = tpu.memref_slice %arg3[%sub3A_143] : memref<247986xi32, #tpu.memory_space<hbm>> -> memref<868xi32, #tpu.memory_space<hbm>>
      %dma_wait3A_229 = arith.constant 1744 : i32
      %dma_wait3A_230 = tpu.memref_slice %arg8[%dma_wait3A_229] : memref<7848xi32, #tpu.memory_space<vmem>> -> memref<868xi32, #tpu.memory_space<vmem>>
      %dma_wait3A_231 = tpu.memref_slice %arg3[%sub3A_143] : memref<247986xi32, #tpu.memory_space<hbm>> -> memref<868xi32, #tpu.memory_space<hbm>>
      tpu.wait_dma2 semaphore(%arg13 : memref<!tpu.dma_semaphore, #tpu.memory_space<semaphore_mem>>) src(%dma_wait3A_231 : memref<868xi32, #tpu.memory_space<hbm>>) dst(%dma_wait3A_230 : memref<868xi32, #tpu.memory_space<vmem>>)
      %dma_wait3A_232 = arith.constant 2616 : i32
      %dma_wait3A_233 = tpu.memref_slice %arg8[%dma_wait3A_232] : memref<7848xi32, #tpu.memory_space<vmem>> -> memref<870xi32, #tpu.memory_space<vmem>>
      %dma_wait3A_234 = tpu.memref_slice %arg3[%sub3A_153] : memref<247986xi32, #tpu.memory_space<hbm>> -> memref<870xi32, #tpu.memory_space<hbm>>
      %dma_wait3A_235 = arith.constant 2616 : i32
      %dma_wait3A_236 = tpu.memref_slice %arg8[%dma_wait3A_235] : memref<7848xi32, #tpu.memory_space<vmem>> -> memref<870xi32, #tpu.memory_space<vmem>>
      %dma_wait3A_237 = tpu.memref_slice %arg3[%sub3A_153] : memref<247986xi32, #tpu.memory_space<hbm>> -> memref<870xi32, #tpu.memory_space<hbm>>
      tpu.wait_dma2 semaphore(%arg13 : memref<!tpu.dma_semaphore, #tpu.memory_space<semaphore_mem>>) src(%dma_wait3A_237 : memref<870xi32, #tpu.memory_space<hbm>>) dst(%dma_wait3A_236 : memref<870xi32, #tpu.memory_space<vmem>>)
      %dma_wait3A_238 = arith.constant 3488 : i32
      %dma_wait3A_239 = tpu.memref_slice %arg8[%dma_wait3A_238] : memref<7848xi32, #tpu.memory_space<vmem>> -> memref<864xi32, #tpu.memory_space<vmem>>
      %dma_wait3A_240 = tpu.memref_slice %arg3[%sub3A_163] : memref<247986xi32, #tpu.memory_space<hbm>> -> memref<864xi32, #tpu.memory_space<hbm>>
      %dma_wait3A_241 = arith.constant 3488 : i32
      %dma_wait3A_242 = tpu.memref_slice %arg8[%dma_wait3A_241] : memref<7848xi32, #tpu.memory_space<vmem>> -> memref<864xi32, #tpu.memory_space<vmem>>
      %dma_wait3A_243 = tpu.memref_slice %arg3[%sub3A_163] : memref<247986xi32, #tpu.memory_space<hbm>> -> memref<864xi32, #tpu.memory_space<hbm>>
      tpu.wait_dma2 semaphore(%arg13 : memref<!tpu.dma_semaphore, #tpu.memory_space<semaphore_mem>>) src(%dma_wait3A_243 : memref<864xi32, #tpu.memory_space<hbm>>) dst(%dma_wait3A_242 : memref<864xi32, #tpu.memory_space<vmem>>)
      %dma_wait3A_244 = arith.constant 4360 : i32
      %dma_wait3A_245 = tpu.memref_slice %arg8[%dma_wait3A_244] : memref<7848xi32, #tpu.memory_space<vmem>> -> memref<866xi32, #tpu.memory_space<vmem>>
      %dma_wait3A_246 = tpu.memref_slice %arg3[%sub3A_173] : memref<247986xi32, #tpu.memory_space<hbm>> -> memref<866xi32, #tpu.memory_space<hbm>>
      %dma_wait3A_247 = arith.constant 4360 : i32
      %dma_wait3A_248 = tpu.memref_slice %arg8[%dma_wait3A_247] : memref<7848xi32, #tpu.memory_space<vmem>> -> memref<866xi32, #tpu.memory_space<vmem>>
      %dma_wait3A_249 = tpu.memref_slice %arg3[%sub3A_173] : memref<247986xi32, #tpu.memory_space<hbm>> -> memref<866xi32, #tpu.memory_space<hbm>>
      tpu.wait_dma2 semaphore(%arg13 : memref<!tpu.dma_semaphore, #tpu.memory_space<semaphore_mem>>) src(%dma_wait3A_249 : memref<866xi32, #tpu.memory_space<hbm>>) dst(%dma_wait3A_248 : memref<866xi32, #tpu.memory_space<vmem>>)
      %dma_wait3A_250 = arith.constant 5232 : i32
      %dma_wait3A_251 = tpu.memref_slice %arg8[%dma_wait3A_250] : memref<7848xi32, #tpu.memory_space<vmem>> -> memref<868xi32, #tpu.memory_space<vmem>>
      %dma_wait3A_252 = tpu.memref_slice %arg3[%sub3A_183] : memref<247986xi32, #tpu.memory_space<hbm>> -> memref<868xi32, #tpu.memory_space<hbm>>
      %dma_wait3A_253 = arith.constant 5232 : i32
      %dma_wait3A_254 = tpu.memref_slice %arg8[%dma_wait3A_253] : memref<7848xi32, #tpu.memory_space<vmem>> -> memref<868xi32, #tpu.memory_space<vmem>>
      %dma_wait3A_255 = tpu.memref_slice %arg3[%sub3A_183] : memref<247986xi32, #tpu.memory_space<hbm>> -> memref<868xi32, #tpu.memory_space<hbm>>
      tpu.wait_dma2 semaphore(%arg13 : memref<!tpu.dma_semaphore, #tpu.memory_space<semaphore_mem>>) src(%dma_wait3A_255 : memref<868xi32, #tpu.memory_space<hbm>>) dst(%dma_wait3A_254 : memref<868xi32, #tpu.memory_space<vmem>>)
      %dma_wait3A_256 = arith.constant 6104 : i32
      %dma_wait3A_257 = tpu.memref_slice %arg8[%dma_wait3A_256] : memref<7848xi32, #tpu.memory_space<vmem>> -> memref<870xi32, #tpu.memory_space<vmem>>
      %dma_wait3A_258 = tpu.memref_slice %arg3[%sub3A_193] : memref<247986xi32, #tpu.memory_space<hbm>> -> memref<870xi32, #tpu.memory_space<hbm>>
      %dma_wait3A_259 = arith.constant 6104 : i32
      %dma_wait3A_260 = tpu.memref_slice %arg8[%dma_wait3A_259] : memref<7848xi32, #tpu.memory_space<vmem>> -> memref<870xi32, #tpu.memory_space<vmem>>
      %dma_wait3A_261 = tpu.memref_slice %arg3[%sub3A_193] : memref<247986xi32, #tpu.memory_space<hbm>> -> memref<870xi32, #tpu.memory_space<hbm>>
      tpu.wait_dma2 semaphore(%arg13 : memref<!tpu.dma_semaphore, #tpu.memory_space<semaphore_mem>>) src(%dma_wait3A_261 : memref<870xi32, #tpu.memory_space<hbm>>) dst(%dma_wait3A_260 : memref<870xi32, #tpu.memory_space<vmem>>)
      %dma_wait3A_262 = arith.constant 6976 : i32
      %dma_wait3A_263 = tpu.memref_slice %arg8[%dma_wait3A_262] : memref<7848xi32, #tpu.memory_space<vmem>> -> memref<864xi32, #tpu.memory_space<vmem>>
      %dma_wait3A_264 = tpu.memref_slice %arg3[%sub3A_203] : memref<247986xi32, #tpu.memory_space<hbm>> -> memref<864xi32, #tpu.memory_space<hbm>>
      %dma_wait3A_265 = arith.constant 6976 : i32
      %dma_wait3A_266 = tpu.memref_slice %arg8[%dma_wait3A_265] : memref<7848xi32, #tpu.memory_space<vmem>> -> memref<864xi32, #tpu.memory_space<vmem>>
      %dma_wait3A_267 = tpu.memref_slice %arg3[%sub3A_203] : memref<247986xi32, #tpu.memory_space<hbm>> -> memref<864xi32, #tpu.memory_space<hbm>>
      tpu.wait_dma2 semaphore(%arg13 : memref<!tpu.dma_semaphore, #tpu.memory_space<semaphore_mem>>) src(%dma_wait3A_267 : memref<864xi32, #tpu.memory_space<hbm>>) dst(%dma_wait3A_266 : memref<864xi32, #tpu.memory_space<vmem>>)
      %dma_wait3A_268 = tpu.memref_slice %arg4[%mul3A_2] : memref<27554xf32, #tpu.memory_space<hbm>> -> memref<864xf32, #tpu.memory_space<hbm>>
      %dma_wait3A_269 = tpu.memref_slice %arg4[%mul3A_2] : memref<27554xf32, #tpu.memory_space<hbm>> -> memref<864xf32, #tpu.memory_space<hbm>>
      tpu.wait_dma2 semaphore(%arg13 : memref<!tpu.dma_semaphore, #tpu.memory_space<semaphore_mem>>) src(%dma_wait3A_269 : memref<864xf32, #tpu.memory_space<hbm>>) dst(%arg9 : memref<864xf32, #tpu.memory_space<vmem>>)
      %dma_wait3A_270 = tpu.memref_slice %arg5[%mul3A_2] : memref<27554xf32, #tpu.memory_space<hbm>> -> memref<864xf32, #tpu.memory_space<hbm>>
      %dma_wait3A_271 = tpu.memref_slice %arg5[%mul3A_2] : memref<27554xf32, #tpu.memory_space<hbm>> -> memref<864xf32, #tpu.memory_space<hbm>>
      tpu.wait_dma2 semaphore(%arg13 : memref<!tpu.dma_semaphore, #tpu.memory_space<semaphore_mem>>) src(%dma_wait3A_271 : memref<864xf32, #tpu.memory_space<hbm>>) dst(%arg10 : memref<864xf32, #tpu.memory_space<vmem>>)
    } else {
    }
    %eq3A_32 = arith.constant 31 : i32
    %eq3A_33 = arith.cmpi eq, %add3A, %eq3A_32 : i32
    %convert_element_type3A_34 = arith.extui %eq3A_33 : i1 to i32
    %cond3A_35 = arith.constant 0 : i32
    %cond3A_36 = arith.cmpi ne, %convert_element_type3A_34, %cond3A_35 : i32
    scf.if %cond3A_36 {
      %add3A_121 = arith.constant 0 : i32
      %add3A_122 = arith.addi %add3A_121, %mul3A_2 : i32
      %sub3A = arith.constant 0 : i32
      %sub3A_123 = arith.subi %add3A_122, %sub3A : i32
      %dma_start3A_124 = arith.constant 0 : i32
      %dma_start3A_125 = tpu.memref_slice %arg8[%dma_start3A_124] : memref<7848xi32, #tpu.memory_space<vmem>> -> memref<770xi32, #tpu.memory_space<vmem>>
      %dma_start3A_126 = tpu.memref_slice %arg3[%sub3A_123] : memref<247986xi32, #tpu.memory_space<hbm>> -> memref<770xi32, #tpu.memory_space<hbm>>
      %dma_start3A_127 = arith.constant 0 : i32
      %dma_start3A_128 = tpu.memref_slice %arg8[%dma_start3A_127] : memref<7848xi32, #tpu.memory_space<vmem>> -> memref<770xi32, #tpu.memory_space<vmem>>
      %dma_start3A_129 = tpu.memref_slice %arg3[%sub3A_123] : memref<247986xi32, #tpu.memory_space<hbm>> -> memref<770xi32, #tpu.memory_space<hbm>>
      tpu.enqueue_dma source(%dma_start3A_129 : memref<770xi32, #tpu.memory_space<hbm>>) target(%dma_start3A_128 : memref<770xi32, #tpu.memory_space<vmem>>) target_semaphore(%arg13 : memref<!tpu.dma_semaphore, #tpu.memory_space<semaphore_mem>>)
      %add3A_130 = arith.constant 27554 : i32
      %add3A_131 = arith.addi %add3A_130, %mul3A_2 : i32
      %sub3A_132 = arith.constant 2 : i32
      %sub3A_133 = arith.subi %add3A_131, %sub3A_132 : i32
      %dma_start3A_134 = arith.constant 872 : i32
      %dma_start3A_135 = tpu.memref_slice %arg8[%dma_start3A_134] : memref<7848xi32, #tpu.memory_space<vmem>> -> memref<772xi32, #tpu.memory_space<vmem>>
      %dma_start3A_136 = tpu.memref_slice %arg3[%sub3A_133] : memref<247986xi32, #tpu.memory_space<hbm>> -> memref<772xi32, #tpu.memory_space<hbm>>
      %dma_start3A_137 = arith.constant 872 : i32
      %dma_start3A_138 = tpu.memref_slice %arg8[%dma_start3A_137] : memref<7848xi32, #tpu.memory_space<vmem>> -> memref<772xi32, #tpu.memory_space<vmem>>
      %dma_start3A_139 = tpu.memref_slice %arg3[%sub3A_133] : memref<247986xi32, #tpu.memory_space<hbm>> -> memref<772xi32, #tpu.memory_space<hbm>>
      tpu.enqueue_dma source(%dma_start3A_139 : memref<772xi32, #tpu.memory_space<hbm>>) target(%dma_start3A_138 : memref<772xi32, #tpu.memory_space<vmem>>) target_semaphore(%arg13 : memref<!tpu.dma_semaphore, #tpu.memory_space<semaphore_mem>>)
      %add3A_140 = arith.constant 55108 : i32
      %add3A_141 = arith.addi %add3A_140, %mul3A_2 : i32
      %sub3A_142 = arith.constant 4 : i32
      %sub3A_143 = arith.subi %add3A_141, %sub3A_142 : i32
      %dma_start3A_144 = arith.constant 1744 : i32
      %dma_start3A_145 = tpu.memref_slice %arg8[%dma_start3A_144] : memref<7848xi32, #tpu.memory_space<vmem>> -> memref<774xi32, #tpu.memory_space<vmem>>
      %dma_start3A_146 = tpu.memref_slice %arg3[%sub3A_143] : memref<247986xi32, #tpu.memory_space<hbm>> -> memref<774xi32, #tpu.memory_space<hbm>>
      %dma_start3A_147 = arith.constant 1744 : i32
      %dma_start3A_148 = tpu.memref_slice %arg8[%dma_start3A_147] : memref<7848xi32, #tpu.memory_space<vmem>> -> memref<774xi32, #tpu.memory_space<vmem>>
      %dma_start3A_149 = tpu.memref_slice %arg3[%sub3A_143] : memref<247986xi32, #tpu.memory_space<hbm>> -> memref<774xi32, #tpu.memory_space<hbm>>
      tpu.enqueue_dma source(%dma_start3A_149 : memref<774xi32, #tpu.memory_space<hbm>>) target(%dma_start3A_148 : memref<774xi32, #tpu.memory_space<vmem>>) target_semaphore(%arg13 : memref<!tpu.dma_semaphore, #tpu.memory_space<semaphore_mem>>)
      %add3A_150 = arith.constant 82662 : i32
      %add3A_151 = arith.addi %add3A_150, %mul3A_2 : i32
      %sub3A_152 = arith.constant 6 : i32
      %sub3A_153 = arith.subi %add3A_151, %sub3A_152 : i32
      %dma_start3A_154 = arith.constant 2616 : i32
      %dma_start3A_155 = tpu.memref_slice %arg8[%dma_start3A_154] : memref<7848xi32, #tpu.memory_space<vmem>> -> memref<776xi32, #tpu.memory_space<vmem>>
      %dma_start3A_156 = tpu.memref_slice %arg3[%sub3A_153] : memref<247986xi32, #tpu.memory_space<hbm>> -> memref<776xi32, #tpu.memory_space<hbm>>
      %dma_start3A_157 = arith.constant 2616 : i32
      %dma_start3A_158 = tpu.memref_slice %arg8[%dma_start3A_157] : memref<7848xi32, #tpu.memory_space<vmem>> -> memref<776xi32, #tpu.memory_space<vmem>>
      %dma_start3A_159 = tpu.memref_slice %arg3[%sub3A_153] : memref<247986xi32, #tpu.memory_space<hbm>> -> memref<776xi32, #tpu.memory_space<hbm>>
      tpu.enqueue_dma source(%dma_start3A_159 : memref<776xi32, #tpu.memory_space<hbm>>) target(%dma_start3A_158 : memref<776xi32, #tpu.memory_space<vmem>>) target_semaphore(%arg13 : memref<!tpu.dma_semaphore, #tpu.memory_space<semaphore_mem>>)
      %add3A_160 = arith.constant 110216 : i32
      %add3A_161 = arith.addi %add3A_160, %mul3A_2 : i32
      %sub3A_162 = arith.constant 0 : i32
      %sub3A_163 = arith.subi %add3A_161, %sub3A_162 : i32
      %dma_start3A_164 = arith.constant 3488 : i32
      %dma_start3A_165 = tpu.memref_slice %arg8[%dma_start3A_164] : memref<7848xi32, #tpu.memory_space<vmem>> -> memref<770xi32, #tpu.memory_space<vmem>>
      %dma_start3A_166 = tpu.memref_slice %arg3[%sub3A_163] : memref<247986xi32, #tpu.memory_space<hbm>> -> memref<770xi32, #tpu.memory_space<hbm>>
      %dma_start3A_167 = arith.constant 3488 : i32
      %dma_start3A_168 = tpu.memref_slice %arg8[%dma_start3A_167] : memref<7848xi32, #tpu.memory_space<vmem>> -> memref<770xi32, #tpu.memory_space<vmem>>
      %dma_start3A_169 = tpu.memref_slice %arg3[%sub3A_163] : memref<247986xi32, #tpu.memory_space<hbm>> -> memref<770xi32, #tpu.memory_space<hbm>>
      tpu.enqueue_dma source(%dma_start3A_169 : memref<770xi32, #tpu.memory_space<hbm>>) target(%dma_start3A_168 : memref<770xi32, #tpu.memory_space<vmem>>) target_semaphore(%arg13 : memref<!tpu.dma_semaphore, #tpu.memory_space<semaphore_mem>>)
      %add3A_170 = arith.constant 137770 : i32
      %add3A_171 = arith.addi %add3A_170, %mul3A_2 : i32
      %sub3A_172 = arith.constant 2 : i32
      %sub3A_173 = arith.subi %add3A_171, %sub3A_172 : i32
      %dma_start3A_174 = arith.constant 4360 : i32
      %dma_start3A_175 = tpu.memref_slice %arg8[%dma_start3A_174] : memref<7848xi32, #tpu.memory_space<vmem>> -> memref<772xi32, #tpu.memory_space<vmem>>
      %dma_start3A_176 = tpu.memref_slice %arg3[%sub3A_173] : memref<247986xi32, #tpu.memory_space<hbm>> -> memref<772xi32, #tpu.memory_space<hbm>>
      %dma_start3A_177 = arith.constant 4360 : i32
      %dma_start3A_178 = tpu.memref_slice %arg8[%dma_start3A_177] : memref<7848xi32, #tpu.memory_space<vmem>> -> memref<772xi32, #tpu.memory_space<vmem>>
      %dma_start3A_179 = tpu.memref_slice %arg3[%sub3A_173] : memref<247986xi32, #tpu.memory_space<hbm>> -> memref<772xi32, #tpu.memory_space<hbm>>
      tpu.enqueue_dma source(%dma_start3A_179 : memref<772xi32, #tpu.memory_space<hbm>>) target(%dma_start3A_178 : memref<772xi32, #tpu.memory_space<vmem>>) target_semaphore(%arg13 : memref<!tpu.dma_semaphore, #tpu.memory_space<semaphore_mem>>)
      %add3A_180 = arith.constant 165324 : i32
      %add3A_181 = arith.addi %add3A_180, %mul3A_2 : i32
      %sub3A_182 = arith.constant 4 : i32
      %sub3A_183 = arith.subi %add3A_181, %sub3A_182 : i32
      %dma_start3A_184 = arith.constant 5232 : i32
      %dma_start3A_185 = tpu.memref_slice %arg8[%dma_start3A_184] : memref<7848xi32, #tpu.memory_space<vmem>> -> memref<774xi32, #tpu.memory_space<vmem>>
      %dma_start3A_186 = tpu.memref_slice %arg3[%sub3A_183] : memref<247986xi32, #tpu.memory_space<hbm>> -> memref<774xi32, #tpu.memory_space<hbm>>
      %dma_start3A_187 = arith.constant 5232 : i32
      %dma_start3A_188 = tpu.memref_slice %arg8[%dma_start3A_187] : memref<7848xi32, #tpu.memory_space<vmem>> -> memref<774xi32, #tpu.memory_space<vmem>>
      %dma_start3A_189 = tpu.memref_slice %arg3[%sub3A_183] : memref<247986xi32, #tpu.memory_space<hbm>> -> memref<774xi32, #tpu.memory_space<hbm>>
      tpu.enqueue_dma source(%dma_start3A_189 : memref<774xi32, #tpu.memory_space<hbm>>) target(%dma_start3A_188 : memref<774xi32, #tpu.memory_space<vmem>>) target_semaphore(%arg13 : memref<!tpu.dma_semaphore, #tpu.memory_space<semaphore_mem>>)
      %add3A_190 = arith.constant 192878 : i32
      %add3A_191 = arith.addi %add3A_190, %mul3A_2 : i32
      %sub3A_192 = arith.constant 6 : i32
      %sub3A_193 = arith.subi %add3A_191, %sub3A_192 : i32
      %dma_start3A_194 = arith.constant 6104 : i32
      %dma_start3A_195 = tpu.memref_slice %arg8[%dma_start3A_194] : memref<7848xi32, #tpu.memory_space<vmem>> -> memref<776xi32, #tpu.memory_space<vmem>>
      %dma_start3A_196 = tpu.memref_slice %arg3[%sub3A_193] : memref<247986xi32, #tpu.memory_space<hbm>> -> memref<776xi32, #tpu.memory_space<hbm>>
      %dma_start3A_197 = arith.constant 6104 : i32
      %dma_start3A_198 = tpu.memref_slice %arg8[%dma_start3A_197] : memref<7848xi32, #tpu.memory_space<vmem>> -> memref<776xi32, #tpu.memory_space<vmem>>
      %dma_start3A_199 = tpu.memref_slice %arg3[%sub3A_193] : memref<247986xi32, #tpu.memory_space<hbm>> -> memref<776xi32, #tpu.memory_space<hbm>>
      tpu.enqueue_dma source(%dma_start3A_199 : memref<776xi32, #tpu.memory_space<hbm>>) target(%dma_start3A_198 : memref<776xi32, #tpu.memory_space<vmem>>) target_semaphore(%arg13 : memref<!tpu.dma_semaphore, #tpu.memory_space<semaphore_mem>>)
      %add3A_200 = arith.constant 220432 : i32
      %add3A_201 = arith.addi %add3A_200, %mul3A_2 : i32
      %sub3A_202 = arith.constant 0 : i32
      %sub3A_203 = arith.subi %add3A_201, %sub3A_202 : i32
      %dma_start3A_204 = arith.constant 6976 : i32
      %dma_start3A_205 = tpu.memref_slice %arg8[%dma_start3A_204] : memref<7848xi32, #tpu.memory_space<vmem>> -> memref<770xi32, #tpu.memory_space<vmem>>
      %dma_start3A_206 = tpu.memref_slice %arg3[%sub3A_203] : memref<247986xi32, #tpu.memory_space<hbm>> -> memref<770xi32, #tpu.memory_space<hbm>>
      %dma_start3A_207 = arith.constant 6976 : i32
      %dma_start3A_208 = tpu.memref_slice %arg8[%dma_start3A_207] : memref<7848xi32, #tpu.memory_space<vmem>> -> memref<770xi32, #tpu.memory_space<vmem>>
      %dma_start3A_209 = tpu.memref_slice %arg3[%sub3A_203] : memref<247986xi32, #tpu.memory_space<hbm>> -> memref<770xi32, #tpu.memory_space<hbm>>
      tpu.enqueue_dma source(%dma_start3A_209 : memref<770xi32, #tpu.memory_space<hbm>>) target(%dma_start3A_208 : memref<770xi32, #tpu.memory_space<vmem>>) target_semaphore(%arg13 : memref<!tpu.dma_semaphore, #tpu.memory_space<semaphore_mem>>)
      %dma_start3A_210 = arith.constant 0 : i32
      %dma_start3A_211 = tpu.memref_slice %arg9[%dma_start3A_210] : memref<864xf32, #tpu.memory_space<vmem>> -> memref<770xf32, #tpu.memory_space<vmem>>
      %dma_start3A_212 = tpu.memref_slice %arg4[%mul3A_2] : memref<27554xf32, #tpu.memory_space<hbm>> -> memref<770xf32, #tpu.memory_space<hbm>>
      %dma_start3A_213 = arith.constant 0 : i32
      %dma_start3A_214 = tpu.memref_slice %arg9[%dma_start3A_213] : memref<864xf32, #tpu.memory_space<vmem>> -> memref<770xf32, #tpu.memory_space<vmem>>
      %dma_start3A_215 = tpu.memref_slice %arg4[%mul3A_2] : memref<27554xf32, #tpu.memory_space<hbm>> -> memref<770xf32, #tpu.memory_space<hbm>>
      tpu.enqueue_dma source(%dma_start3A_215 : memref<770xf32, #tpu.memory_space<hbm>>) target(%dma_start3A_214 : memref<770xf32, #tpu.memory_space<vmem>>) target_semaphore(%arg13 : memref<!tpu.dma_semaphore, #tpu.memory_space<semaphore_mem>>)
      %dma_start3A_216 = arith.constant 0 : i32
      %dma_start3A_217 = tpu.memref_slice %arg10[%dma_start3A_216] : memref<864xf32, #tpu.memory_space<vmem>> -> memref<770xf32, #tpu.memory_space<vmem>>
      %dma_start3A_218 = tpu.memref_slice %arg5[%mul3A_2] : memref<27554xf32, #tpu.memory_space<hbm>> -> memref<770xf32, #tpu.memory_space<hbm>>
      %dma_start3A_219 = arith.constant 0 : i32
      %dma_start3A_220 = tpu.memref_slice %arg10[%dma_start3A_219] : memref<864xf32, #tpu.memory_space<vmem>> -> memref<770xf32, #tpu.memory_space<vmem>>
      %dma_start3A_221 = tpu.memref_slice %arg5[%mul3A_2] : memref<27554xf32, #tpu.memory_space<hbm>> -> memref<770xf32, #tpu.memory_space<hbm>>
      tpu.enqueue_dma source(%dma_start3A_221 : memref<770xf32, #tpu.memory_space<hbm>>) target(%dma_start3A_220 : memref<770xf32, #tpu.memory_space<vmem>>) target_semaphore(%arg13 : memref<!tpu.dma_semaphore, #tpu.memory_space<semaphore_mem>>)
      %dma_wait3A_222 = arith.constant 0 : i32
      %dma_wait3A_223 = tpu.memref_slice %arg8[%dma_wait3A_222] : memref<7848xi32, #tpu.memory_space<vmem>> -> memref<770xi32, #tpu.memory_space<vmem>>
      %dma_wait3A_224 = tpu.memref_slice %arg3[%sub3A_123] : memref<247986xi32, #tpu.memory_space<hbm>> -> memref<770xi32, #tpu.memory_space<hbm>>
      %dma_wait3A_225 = arith.constant 0 : i32
      %dma_wait3A_226 = tpu.memref_slice %arg8[%dma_wait3A_225] : memref<7848xi32, #tpu.memory_space<vmem>> -> memref<770xi32, #tpu.memory_space<vmem>>
      %dma_wait3A_227 = tpu.memref_slice %arg3[%sub3A_123] : memref<247986xi32, #tpu.memory_space<hbm>> -> memref<770xi32, #tpu.memory_space<hbm>>
      tpu.wait_dma2 semaphore(%arg13 : memref<!tpu.dma_semaphore, #tpu.memory_space<semaphore_mem>>) src(%dma_wait3A_227 : memref<770xi32, #tpu.memory_space<hbm>>) dst(%dma_wait3A_226 : memref<770xi32, #tpu.memory_space<vmem>>)
      %dma_wait3A_228 = arith.constant 872 : i32
      %dma_wait3A_229 = tpu.memref_slice %arg8[%dma_wait3A_228] : memref<7848xi32, #tpu.memory_space<vmem>> -> memref<772xi32, #tpu.memory_space<vmem>>
      %dma_wait3A_230 = tpu.memref_slice %arg3[%sub3A_133] : memref<247986xi32, #tpu.memory_space<hbm>> -> memref<772xi32, #tpu.memory_space<hbm>>
      %dma_wait3A_231 = arith.constant 872 : i32
      %dma_wait3A_232 = tpu.memref_slice %arg8[%dma_wait3A_231] : memref<7848xi32, #tpu.memory_space<vmem>> -> memref<772xi32, #tpu.memory_space<vmem>>
      %dma_wait3A_233 = tpu.memref_slice %arg3[%sub3A_133] : memref<247986xi32, #tpu.memory_space<hbm>> -> memref<772xi32, #tpu.memory_space<hbm>>
      tpu.wait_dma2 semaphore(%arg13 : memref<!tpu.dma_semaphore, #tpu.memory_space<semaphore_mem>>) src(%dma_wait3A_233 : memref<772xi32, #tpu.memory_space<hbm>>) dst(%dma_wait3A_232 : memref<772xi32, #tpu.memory_space<vmem>>)
      %dma_wait3A_234 = arith.constant 1744 : i32
      %dma_wait3A_235 = tpu.memref_slice %arg8[%dma_wait3A_234] : memref<7848xi32, #tpu.memory_space<vmem>> -> memref<774xi32, #tpu.memory_space<vmem>>
      %dma_wait3A_236 = tpu.memref_slice %arg3[%sub3A_143] : memref<247986xi32, #tpu.memory_space<hbm>> -> memref<774xi32, #tpu.memory_space<hbm>>
      %dma_wait3A_237 = arith.constant 1744 : i32
      %dma_wait3A_238 = tpu.memref_slice %arg8[%dma_wait3A_237] : memref<7848xi32, #tpu.memory_space<vmem>> -> memref<774xi32, #tpu.memory_space<vmem>>
      %dma_wait3A_239 = tpu.memref_slice %arg3[%sub3A_143] : memref<247986xi32, #tpu.memory_space<hbm>> -> memref<774xi32, #tpu.memory_space<hbm>>
      tpu.wait_dma2 semaphore(%arg13 : memref<!tpu.dma_semaphore, #tpu.memory_space<semaphore_mem>>) src(%dma_wait3A_239 : memref<774xi32, #tpu.memory_space<hbm>>) dst(%dma_wait3A_238 : memref<774xi32, #tpu.memory_space<vmem>>)
      %dma_wait3A_240 = arith.constant 2616 : i32
      %dma_wait3A_241 = tpu.memref_slice %arg8[%dma_wait3A_240] : memref<7848xi32, #tpu.memory_space<vmem>> -> memref<776xi32, #tpu.memory_space<vmem>>
      %dma_wait3A_242 = tpu.memref_slice %arg3[%sub3A_153] : memref<247986xi32, #tpu.memory_space<hbm>> -> memref<776xi32, #tpu.memory_space<hbm>>
      %dma_wait3A_243 = arith.constant 2616 : i32
      %dma_wait3A_244 = tpu.memref_slice %arg8[%dma_wait3A_243] : memref<7848xi32, #tpu.memory_space<vmem>> -> memref<776xi32, #tpu.memory_space<vmem>>
      %dma_wait3A_245 = tpu.memref_slice %arg3[%sub3A_153] : memref<247986xi32, #tpu.memory_space<hbm>> -> memref<776xi32, #tpu.memory_space<hbm>>
      tpu.wait_dma2 semaphore(%arg13 : memref<!tpu.dma_semaphore, #tpu.memory_space<semaphore_mem>>) src(%dma_wait3A_245 : memref<776xi32, #tpu.memory_space<hbm>>) dst(%dma_wait3A_244 : memref<776xi32, #tpu.memory_space<vmem>>)
      %dma_wait3A_246 = arith.constant 3488 : i32
      %dma_wait3A_247 = tpu.memref_slice %arg8[%dma_wait3A_246] : memref<7848xi32, #tpu.memory_space<vmem>> -> memref<770xi32, #tpu.memory_space<vmem>>
      %dma_wait3A_248 = tpu.memref_slice %arg3[%sub3A_163] : memref<247986xi32, #tpu.memory_space<hbm>> -> memref<770xi32, #tpu.memory_space<hbm>>
      %dma_wait3A_249 = arith.constant 3488 : i32
      %dma_wait3A_250 = tpu.memref_slice %arg8[%dma_wait3A_249] : memref<7848xi32, #tpu.memory_space<vmem>> -> memref<770xi32, #tpu.memory_space<vmem>>
      %dma_wait3A_251 = tpu.memref_slice %arg3[%sub3A_163] : memref<247986xi32, #tpu.memory_space<hbm>> -> memref<770xi32, #tpu.memory_space<hbm>>
      tpu.wait_dma2 semaphore(%arg13 : memref<!tpu.dma_semaphore, #tpu.memory_space<semaphore_mem>>) src(%dma_wait3A_251 : memref<770xi32, #tpu.memory_space<hbm>>) dst(%dma_wait3A_250 : memref<770xi32, #tpu.memory_space<vmem>>)
      %dma_wait3A_252 = arith.constant 4360 : i32
      %dma_wait3A_253 = tpu.memref_slice %arg8[%dma_wait3A_252] : memref<7848xi32, #tpu.memory_space<vmem>> -> memref<772xi32, #tpu.memory_space<vmem>>
      %dma_wait3A_254 = tpu.memref_slice %arg3[%sub3A_173] : memref<247986xi32, #tpu.memory_space<hbm>> -> memref<772xi32, #tpu.memory_space<hbm>>
      %dma_wait3A_255 = arith.constant 4360 : i32
      %dma_wait3A_256 = tpu.memref_slice %arg8[%dma_wait3A_255] : memref<7848xi32, #tpu.memory_space<vmem>> -> memref<772xi32, #tpu.memory_space<vmem>>
      %dma_wait3A_257 = tpu.memref_slice %arg3[%sub3A_173] : memref<247986xi32, #tpu.memory_space<hbm>> -> memref<772xi32, #tpu.memory_space<hbm>>
      tpu.wait_dma2 semaphore(%arg13 : memref<!tpu.dma_semaphore, #tpu.memory_space<semaphore_mem>>) src(%dma_wait3A_257 : memref<772xi32, #tpu.memory_space<hbm>>) dst(%dma_wait3A_256 : memref<772xi32, #tpu.memory_space<vmem>>)
      %dma_wait3A_258 = arith.constant 5232 : i32
      %dma_wait3A_259 = tpu.memref_slice %arg8[%dma_wait3A_258] : memref<7848xi32, #tpu.memory_space<vmem>> -> memref<774xi32, #tpu.memory_space<vmem>>
      %dma_wait3A_260 = tpu.memref_slice %arg3[%sub3A_183] : memref<247986xi32, #tpu.memory_space<hbm>> -> memref<774xi32, #tpu.memory_space<hbm>>
      %dma_wait3A_261 = arith.constant 5232 : i32
      %dma_wait3A_262 = tpu.memref_slice %arg8[%dma_wait3A_261] : memref<7848xi32, #tpu.memory_space<vmem>> -> memref<774xi32, #tpu.memory_space<vmem>>
      %dma_wait3A_263 = tpu.memref_slice %arg3[%sub3A_183] : memref<247986xi32, #tpu.memory_space<hbm>> -> memref<774xi32, #tpu.memory_space<hbm>>
      tpu.wait_dma2 semaphore(%arg13 : memref<!tpu.dma_semaphore, #tpu.memory_space<semaphore_mem>>) src(%dma_wait3A_263 : memref<774xi32, #tpu.memory_space<hbm>>) dst(%dma_wait3A_262 : memref<774xi32, #tpu.memory_space<vmem>>)
      %dma_wait3A_264 = arith.constant 6104 : i32
      %dma_wait3A_265 = tpu.memref_slice %arg8[%dma_wait3A_264] : memref<7848xi32, #tpu.memory_space<vmem>> -> memref<776xi32, #tpu.memory_space<vmem>>
      %dma_wait3A_266 = tpu.memref_slice %arg3[%sub3A_193] : memref<247986xi32, #tpu.memory_space<hbm>> -> memref<776xi32, #tpu.memory_space<hbm>>
      %dma_wait3A_267 = arith.constant 6104 : i32
      %dma_wait3A_268 = tpu.memref_slice %arg8[%dma_wait3A_267] : memref<7848xi32, #tpu.memory_space<vmem>> -> memref<776xi32, #tpu.memory_space<vmem>>
      %dma_wait3A_269 = tpu.memref_slice %arg3[%sub3A_193] : memref<247986xi32, #tpu.memory_space<hbm>> -> memref<776xi32, #tpu.memory_space<hbm>>
      tpu.wait_dma2 semaphore(%arg13 : memref<!tpu.dma_semaphore, #tpu.memory_space<semaphore_mem>>) src(%dma_wait3A_269 : memref<776xi32, #tpu.memory_space<hbm>>) dst(%dma_wait3A_268 : memref<776xi32, #tpu.memory_space<vmem>>)
      %dma_wait3A_270 = arith.constant 6976 : i32
      %dma_wait3A_271 = tpu.memref_slice %arg8[%dma_wait3A_270] : memref<7848xi32, #tpu.memory_space<vmem>> -> memref<770xi32, #tpu.memory_space<vmem>>
      %dma_wait3A_272 = tpu.memref_slice %arg3[%sub3A_203] : memref<247986xi32, #tpu.memory_space<hbm>> -> memref<770xi32, #tpu.memory_space<hbm>>
      %dma_wait3A_273 = arith.constant 6976 : i32
      %dma_wait3A_274 = tpu.memref_slice %arg8[%dma_wait3A_273] : memref<7848xi32, #tpu.memory_space<vmem>> -> memref<770xi32, #tpu.memory_space<vmem>>
      %dma_wait3A_275 = tpu.memref_slice %arg3[%sub3A_203] : memref<247986xi32, #tpu.memory_space<hbm>> -> memref<770xi32, #tpu.memory_space<hbm>>
      tpu.wait_dma2 semaphore(%arg13 : memref<!tpu.dma_semaphore, #tpu.memory_space<semaphore_mem>>) src(%dma_wait3A_275 : memref<770xi32, #tpu.memory_space<hbm>>) dst(%dma_wait3A_274 : memref<770xi32, #tpu.memory_space<vmem>>)
      %dma_wait3A_276 = arith.constant 0 : i32
      %dma_wait3A_277 = tpu.memref_slice %arg9[%dma_wait3A_276] : memref<864xf32, #tpu.memory_space<vmem>> -> memref<770xf32, #tpu.memory_space<vmem>>
      %dma_wait3A_278 = tpu.memref_slice %arg4[%mul3A_2] : memref<27554xf32, #tpu.memory_space<hbm>> -> memref<770xf32, #tpu.memory_space<hbm>>
      %dma_wait3A_279 = arith.constant 0 : i32
      %dma_wait3A_280 = tpu.memref_slice %arg9[%dma_wait3A_279] : memref<864xf32, #tpu.memory_space<vmem>> -> memref<770xf32, #tpu.memory_space<vmem>>
      %dma_wait3A_281 = tpu.memref_slice %arg4[%mul3A_2] : memref<27554xf32, #tpu.memory_space<hbm>> -> memref<770xf32, #tpu.memory_space<hbm>>
      tpu.wait_dma2 semaphore(%arg13 : memref<!tpu.dma_semaphore, #tpu.memory_space<semaphore_mem>>) src(%dma_wait3A_281 : memref<770xf32, #tpu.memory_space<hbm>>) dst(%dma_wait3A_280 : memref<770xf32, #tpu.memory_space<vmem>>)
      %dma_wait3A_282 = arith.constant 0 : i32
      %dma_wait3A_283 = tpu.memref_slice %arg10[%dma_wait3A_282] : memref<864xf32, #tpu.memory_space<vmem>> -> memref<770xf32, #tpu.memory_space<vmem>>
      %dma_wait3A_284 = tpu.memref_slice %arg5[%mul3A_2] : memref<27554xf32, #tpu.memory_space<hbm>> -> memref<770xf32, #tpu.memory_space<hbm>>
      %dma_wait3A_285 = arith.constant 0 : i32
      %dma_wait3A_286 = tpu.memref_slice %arg10[%dma_wait3A_285] : memref<864xf32, #tpu.memory_space<vmem>> -> memref<770xf32, #tpu.memory_space<vmem>>
      %dma_wait3A_287 = tpu.memref_slice %arg5[%mul3A_2] : memref<27554xf32, #tpu.memory_space<hbm>> -> memref<770xf32, #tpu.memory_space<hbm>>
      tpu.wait_dma2 semaphore(%arg13 : memref<!tpu.dma_semaphore, #tpu.memory_space<semaphore_mem>>) src(%dma_wait3A_287 : memref<770xf32, #tpu.memory_space<hbm>>) dst(%dma_wait3A_286 : memref<770xf32, #tpu.memory_space<vmem>>)
    } else {
    }
    %dma_wait3A = arith.constant 27552 : i32
    %dma_wait3A_37 = tpu.memref_slice %arg7[%dma_wait3A] : memref<82704xf32, #tpu.memory_space<vmem>> -> memref<2xf32, #tpu.memory_space<vmem>>
    %dma_wait3A_38 = arith.constant 27552 : i32
    %dma_wait3A_39 = tpu.memref_slice %arg2[%dma_wait3A_38] : memref<82662xf32, #tpu.memory_space<hbm>> -> memref<2xf32, #tpu.memory_space<hbm>>
    %dma_wait3A_40 = arith.constant 27552 : i32
    %dma_wait3A_41 = tpu.memref_slice %arg7[%dma_wait3A_40] : memref<82704xf32, #tpu.memory_space<vmem>> -> memref<2xf32, #tpu.memory_space<vmem>>
    %dma_wait3A_42 = arith.constant 27552 : i32
    %dma_wait3A_43 = tpu.memref_slice %arg2[%dma_wait3A_42] : memref<82662xf32, #tpu.memory_space<hbm>> -> memref<2xf32, #tpu.memory_space<hbm>>
    tpu.wait_dma2 semaphore(%arg13 : memref<!tpu.dma_semaphore, #tpu.memory_space<semaphore_mem>>) src(%dma_wait3A_43 : memref<2xf32, #tpu.memory_space<hbm>>) dst(%dma_wait3A_41 : memref<2xf32, #tpu.memory_space<vmem>>)
    %dma_wait3A_44 = arith.constant 55120 : i32
    %dma_wait3A_45 = tpu.memref_slice %arg7[%dma_wait3A_44] : memref<82704xf32, #tpu.memory_space<vmem>> -> memref<4xf32, #tpu.memory_space<vmem>>
    %dma_wait3A_46 = arith.constant 55104 : i32
    %dma_wait3A_47 = tpu.memref_slice %arg2[%dma_wait3A_46] : memref<82662xf32, #tpu.memory_space<hbm>> -> memref<4xf32, #tpu.memory_space<hbm>>
    %dma_wait3A_48 = arith.constant 55120 : i32
    %dma_wait3A_49 = tpu.memref_slice %arg7[%dma_wait3A_48] : memref<82704xf32, #tpu.memory_space<vmem>> -> memref<4xf32, #tpu.memory_space<vmem>>
    %dma_wait3A_50 = arith.constant 55104 : i32
    %dma_wait3A_51 = tpu.memref_slice %arg2[%dma_wait3A_50] : memref<82662xf32, #tpu.memory_space<hbm>> -> memref<4xf32, #tpu.memory_space<hbm>>
    tpu.wait_dma2 semaphore(%arg13 : memref<!tpu.dma_semaphore, #tpu.memory_space<semaphore_mem>>) src(%dma_wait3A_51 : memref<4xf32, #tpu.memory_space<hbm>>) dst(%dma_wait3A_49 : memref<4xf32, #tpu.memory_space<vmem>>)
    %dma_wait3A_52 = arith.constant 82688 : i32
    %dma_wait3A_53 = tpu.memref_slice %arg7[%dma_wait3A_52] : memref<82704xf32, #tpu.memory_space<vmem>> -> memref<6xf32, #tpu.memory_space<vmem>>
    %dma_wait3A_54 = arith.constant 82656 : i32
    %dma_wait3A_55 = tpu.memref_slice %arg2[%dma_wait3A_54] : memref<82662xf32, #tpu.memory_space<hbm>> -> memref<6xf32, #tpu.memory_space<hbm>>
    %dma_wait3A_56 = arith.constant 82688 : i32
    %dma_wait3A_57 = tpu.memref_slice %arg7[%dma_wait3A_56] : memref<82704xf32, #tpu.memory_space<vmem>> -> memref<6xf32, #tpu.memory_space<vmem>>
    %dma_wait3A_58 = arith.constant 82656 : i32
    %dma_wait3A_59 = tpu.memref_slice %arg2[%dma_wait3A_58] : memref<82662xf32, #tpu.memory_space<hbm>> -> memref<6xf32, #tpu.memory_space<hbm>>
    tpu.wait_dma2 semaphore(%arg13 : memref<!tpu.dma_semaphore, #tpu.memory_space<semaphore_mem>>) src(%dma_wait3A_59 : memref<6xf32, #tpu.memory_space<hbm>>) dst(%dma_wait3A_57 : memref<6xf32, #tpu.memory_space<vmem>>)
    %barrier3A = arith.constant 0 : index
    tpu.barrier barrier_id(%barrier3A)
    %dma_start3A_60 = arith.constant 0 : i32
    %dma_start3A_61 = tpu.memref_slice %arg7[%dma_start3A_60] : memref<82704xf32, #tpu.memory_space<vmem>> -> memref<27552xf32, #tpu.memory_space<vmem>>
    %dma_start3A_62 = arith.constant 0 : i32
    %dma_start3A_63 = tpu.memref_slice %arg12[%dma_start3A_62] : memref<82656xf32, #tpu.memory_space<vmem_shared>> -> memref<27552xf32, #tpu.memory_space<vmem_shared>>
    %dma_start3A_64 = arith.constant 0 : i32
    %dma_start3A_65 = tpu.memref_slice %arg7[%dma_start3A_64] : memref<82704xf32, #tpu.memory_space<vmem>> -> memref<27552xf32, #tpu.memory_space<vmem>>
    %dma_start3A_66 = arith.constant 0 : i32
    %dma_start3A_67 = tpu.memref_slice %arg12[%dma_start3A_66] : memref<82656xf32, #tpu.memory_space<vmem_shared>> -> memref<27552xf32, #tpu.memory_space<vmem_shared>>
    tpu.enqueue_dma source(%dma_start3A_67 : memref<27552xf32, #tpu.memory_space<vmem_shared>>) target(%dma_start3A_65 : memref<27552xf32, #tpu.memory_space<vmem>>) target_semaphore(%arg13 : memref<!tpu.dma_semaphore, #tpu.memory_space<semaphore_mem>>)
    %dma_start3A_68 = arith.constant 27568 : i32
    %dma_start3A_69 = tpu.memref_slice %arg7[%dma_start3A_68] : memref<82704xf32, #tpu.memory_space<vmem>> -> memref<27552xf32, #tpu.memory_space<vmem>>
    %dma_start3A_70 = arith.constant 27552 : i32
    %dma_start3A_71 = tpu.memref_slice %arg12[%dma_start3A_70] : memref<82656xf32, #tpu.memory_space<vmem_shared>> -> memref<27552xf32, #tpu.memory_space<vmem_shared>>
    %dma_start3A_72 = arith.constant 27568 : i32
    %dma_start3A_73 = tpu.memref_slice %arg7[%dma_start3A_72] : memref<82704xf32, #tpu.memory_space<vmem>> -> memref<27552xf32, #tpu.memory_space<vmem>>
    %dma_start3A_74 = arith.constant 27552 : i32
    %dma_start3A_75 = tpu.memref_slice %arg12[%dma_start3A_74] : memref<82656xf32, #tpu.memory_space<vmem_shared>> -> memref<27552xf32, #tpu.memory_space<vmem_shared>>
    tpu.enqueue_dma source(%dma_start3A_75 : memref<27552xf32, #tpu.memory_space<vmem_shared>>) target(%dma_start3A_73 : memref<27552xf32, #tpu.memory_space<vmem>>) target_semaphore(%arg13 : memref<!tpu.dma_semaphore, #tpu.memory_space<semaphore_mem>>)
    %dma_start3A_76 = arith.constant 55136 : i32
    %dma_start3A_77 = tpu.memref_slice %arg7[%dma_start3A_76] : memref<82704xf32, #tpu.memory_space<vmem>> -> memref<27552xf32, #tpu.memory_space<vmem>>
    %dma_start3A_78 = arith.constant 55104 : i32
    %dma_start3A_79 = tpu.memref_slice %arg12[%dma_start3A_78] : memref<82656xf32, #tpu.memory_space<vmem_shared>> -> memref<27552xf32, #tpu.memory_space<vmem_shared>>
    %dma_start3A_80 = arith.constant 55136 : i32
    %dma_start3A_81 = tpu.memref_slice %arg7[%dma_start3A_80] : memref<82704xf32, #tpu.memory_space<vmem>> -> memref<27552xf32, #tpu.memory_space<vmem>>
    %dma_start3A_82 = arith.constant 55104 : i32
    %dma_start3A_83 = tpu.memref_slice %arg12[%dma_start3A_82] : memref<82656xf32, #tpu.memory_space<vmem_shared>> -> memref<27552xf32, #tpu.memory_space<vmem_shared>>
    tpu.enqueue_dma source(%dma_start3A_83 : memref<27552xf32, #tpu.memory_space<vmem_shared>>) target(%dma_start3A_81 : memref<27552xf32, #tpu.memory_space<vmem>>) target_semaphore(%arg13 : memref<!tpu.dma_semaphore, #tpu.memory_space<semaphore_mem>>)
    %dma_wait3A_84 = arith.constant 0 : i32
    %dma_wait3A_85 = tpu.memref_slice %arg7[%dma_wait3A_84] : memref<82704xf32, #tpu.memory_space<vmem>> -> memref<27552xf32, #tpu.memory_space<vmem>>
    %dma_wait3A_86 = arith.constant 0 : i32
    %dma_wait3A_87 = tpu.memref_slice %arg12[%dma_wait3A_86] : memref<82656xf32, #tpu.memory_space<vmem_shared>> -> memref<27552xf32, #tpu.memory_space<vmem_shared>>
    %dma_wait3A_88 = arith.constant 0 : i32
    %dma_wait3A_89 = tpu.memref_slice %arg7[%dma_wait3A_88] : memref<82704xf32, #tpu.memory_space<vmem>> -> memref<27552xf32, #tpu.memory_space<vmem>>
    %dma_wait3A_90 = arith.constant 0 : i32
    %dma_wait3A_91 = tpu.memref_slice %arg12[%dma_wait3A_90] : memref<82656xf32, #tpu.memory_space<vmem_shared>> -> memref<27552xf32, #tpu.memory_space<vmem_shared>>
    tpu.wait_dma2 semaphore(%arg13 : memref<!tpu.dma_semaphore, #tpu.memory_space<semaphore_mem>>) src(%dma_wait3A_91 : memref<27552xf32, #tpu.memory_space<vmem_shared>>) dst(%dma_wait3A_89 : memref<27552xf32, #tpu.memory_space<vmem>>)
    %dma_wait3A_92 = arith.constant 27568 : i32
    %dma_wait3A_93 = tpu.memref_slice %arg7[%dma_wait3A_92] : memref<82704xf32, #tpu.memory_space<vmem>> -> memref<27552xf32, #tpu.memory_space<vmem>>
    %dma_wait3A_94 = arith.constant 27552 : i32
    %dma_wait3A_95 = tpu.memref_slice %arg12[%dma_wait3A_94] : memref<82656xf32, #tpu.memory_space<vmem_shared>> -> memref<27552xf32, #tpu.memory_space<vmem_shared>>
    %dma_wait3A_96 = arith.constant 27568 : i32
    %dma_wait3A_97 = tpu.memref_slice %arg7[%dma_wait3A_96] : memref<82704xf32, #tpu.memory_space<vmem>> -> memref<27552xf32, #tpu.memory_space<vmem>>
    %dma_wait3A_98 = arith.constant 27552 : i32
    %dma_wait3A_99 = tpu.memref_slice %arg12[%dma_wait3A_98] : memref<82656xf32, #tpu.memory_space<vmem_shared>> -> memref<27552xf32, #tpu.memory_space<vmem_shared>>
    tpu.wait_dma2 semaphore(%arg13 : memref<!tpu.dma_semaphore, #tpu.memory_space<semaphore_mem>>) src(%dma_wait3A_99 : memref<27552xf32, #tpu.memory_space<vmem_shared>>) dst(%dma_wait3A_97 : memref<27552xf32, #tpu.memory_space<vmem>>)
    %dma_wait3A_100 = arith.constant 55136 : i32
    %dma_wait3A_101 = tpu.memref_slice %arg7[%dma_wait3A_100] : memref<82704xf32, #tpu.memory_space<vmem>> -> memref<27552xf32, #tpu.memory_space<vmem>>
    %dma_wait3A_102 = arith.constant 55104 : i32
    %dma_wait3A_103 = tpu.memref_slice %arg12[%dma_wait3A_102] : memref<82656xf32, #tpu.memory_space<vmem_shared>> -> memref<27552xf32, #tpu.memory_space<vmem_shared>>
    %dma_wait3A_104 = arith.constant 55136 : i32
    %dma_wait3A_105 = tpu.memref_slice %arg7[%dma_wait3A_104] : memref<82704xf32, #tpu.memory_space<vmem>> -> memref<27552xf32, #tpu.memory_space<vmem>>
    %dma_wait3A_106 = arith.constant 55104 : i32
    %dma_wait3A_107 = tpu.memref_slice %arg12[%dma_wait3A_106] : memref<82656xf32, #tpu.memory_space<vmem_shared>> -> memref<27552xf32, #tpu.memory_space<vmem_shared>>
    tpu.wait_dma2 semaphore(%arg13 : memref<!tpu.dma_semaphore, #tpu.memory_space<semaphore_mem>>) src(%dma_wait3A_107 : memref<27552xf32, #tpu.memory_space<vmem_shared>>) dst(%dma_wait3A_105 : memref<27552xf32, #tpu.memory_space<vmem>>)
    %iota3A = tpu.iota {dimensions = array<i32: 0>} : vector<16xi32>
    %broadcast_in_dim3A = arith.constant 27553 : i32
    %broadcast_in_dim3A_108 = vector.broadcast %broadcast_in_dim3A : i32 to vector<16xi32>
    %broadcast_in_dim3A_109 = arith.constant 0 : i32
    %broadcast_in_dim3A_110 = vector.broadcast %broadcast_in_dim3A_109 : i32 to vector<16xi32>
    %broadcast_in_dim3A_111 = arith.constant 0.000000e+00 : f32
    %broadcast_in_dim3A_112 = vector.broadcast %broadcast_in_dim3A_111 : f32 to vector<16xf32>
    %scan3A = arith.constant 0 : i32
    %scan3A_113 = arith.constant 54 : i32
    %scan3A_114 = arith.addi %scan3A, %scan3A_113 : i32
    %scan3A_115 = arith.constant 1 : i32
    %scan3A_116 = scf.for %scan3A_121 = %scan3A to %scan3A_114 step %scan3A_115 iter_args(%scan3A_122 = %broadcast_in_dim3A_112) -> (vector<16xf32>)  : i32 {
      %mul3A_123 = arith.constant 16 : i32
      %mul3A_124 = arith.muli %scan3A_121, %mul3A_123 : i32
      %add3A_125 = arith.addi %mul3A_2, %mul3A_124 : i32
      %add3A_126 = vector.broadcast %add3A_125 : i32 to vector<16xi32>
      %add3A_127 = arith.addi %add3A_126, %iota3A : vector<16xi32>
      %min3A = arith.minsi %add3A_127, %broadcast_in_dim3A_108 : vector<16xi32>
      %add3A_128 = arith.constant 0 : i32
      %add3A_129 = vector.broadcast %add3A_128 : i32 to vector<16xi32>
      %add3A_130 = arith.addi %min3A, %add3A_129 : vector<16xi32>
      %gather3A = tpu.vector_load_idx %arg7[%add3A_130] : memref<82704xf32, #tpu.memory_space<vmem>>[vector<16xi32>], vector<16xf32>,
      %add3A_131 = arith.constant 27570 : i32
      %add3A_132 = vector.broadcast %add3A_131 : i32 to vector<16xi32>
      %add3A_133 = arith.addi %min3A, %add3A_132 : vector<16xi32>
      %gather3A_134 = tpu.vector_load_idx %arg7[%add3A_133] : memref<82704xf32, #tpu.memory_space<vmem>>[vector<16xi32>], vector<16xf32>,
      %add3A_135 = arith.constant 55140 : i32
      %add3A_136 = vector.broadcast %add3A_135 : i32 to vector<16xi32>
      %add3A_137 = arith.addi %min3A, %add3A_136 : vector<16xi32>
      %gather3A_138 = tpu.vector_load_idx %arg7[%add3A_137] : memref<82704xf32, #tpu.memory_space<vmem>>[vector<16xi32>], vector<16xf32>,
      %broadcast_in_dim3A_139 = arith.constant 0.000000e+00 : f32
      %broadcast_in_dim3A_140 = vector.broadcast %broadcast_in_dim3A_139 : f32 to vector<16xf32>
      %broadcast_in_dim3A_141 = arith.constant 0.000000e+00 : f32
      %broadcast_in_dim3A_142 = vector.broadcast %broadcast_in_dim3A_141 : f32 to vector<16xf32>
      %broadcast_in_dim3A_143 = arith.constant 0.000000e+00 : f32
      %broadcast_in_dim3A_144 = vector.broadcast %broadcast_in_dim3A_143 : f32 to vector<16xf32>
      %add3A_145 = vector.broadcast %mul3A_124 : i32 to vector<16xi32>
      %add3A_146 = arith.addi %add3A_145, %iota3A : vector<16xi32>
      %add3A_147 = arith.constant 0 : i32
      %add3A_148 = vector.broadcast %add3A_147 : i32 to vector<16xi32>
      %add3A_149 = arith.addi %add3A_146, %add3A_148 : vector<16xi32>
      %gather3A_150 = tpu.vector_load_idx %arg8[%add3A_149] : memref<7848xi32, #tpu.memory_space<vmem>>[vector<16xi32>], vector<16xi32>,
      %max3A = arith.maxsi %gather3A_150, %broadcast_in_dim3A_110 : vector<16xi32>
      %min3A_151 = arith.minsi %max3A, %broadcast_in_dim3A_108 : vector<16xi32>
      %add3A_152 = arith.constant 0 : i32
      %add3A_153 = vector.broadcast %add3A_152 : i32 to vector<16xi32>
      %add3A_154 = arith.addi %min3A_151, %add3A_153 : vector<16xi32>
      %gather3A_155 = tpu.vector_load_idx %arg7[%add3A_154] : memref<82704xf32, #tpu.memory_space<vmem>>[vector<16xi32>], vector<16xf32>,
      %add3A_156 = arith.addf %broadcast_in_dim3A_140, %gather3A_155 : vector<16xf32>
      %add3A_157 = arith.constant 27570 : i32
      %add3A_158 = vector.broadcast %add3A_157 : i32 to vector<16xi32>
      %add3A_159 = arith.addi %min3A_151, %add3A_158 : vector<16xi32>
      %gather3A_160 = tpu.vector_load_idx %arg7[%add3A_159] : memref<82704xf32, #tpu.memory_space<vmem>>[vector<16xi32>], vector<16xf32>,
      %add3A_161 = arith.addf %broadcast_in_dim3A_142, %gather3A_160 : vector<16xf32>
      %add3A_162 = arith.constant 55140 : i32
      %add3A_163 = vector.broadcast %add3A_162 : i32 to vector<16xi32>
      %add3A_164 = arith.addi %min3A_151, %add3A_163 : vector<16xi32>
      %gather3A_165 = tpu.vector_load_idx %arg7[%add3A_164] : memref<82704xf32, #tpu.memory_space<vmem>>[vector<16xi32>], vector<16xf32>,
      %add3A_166 = arith.addf %broadcast_in_dim3A_144, %gather3A_165 : vector<16xf32>
      %add3A_167 = vector.broadcast %mul3A_124 : i32 to vector<16xi32>
      %add3A_168 = arith.addi %add3A_167, %iota3A : vector<16xi32>
      %add3A_169 = arith.constant 874 : i32
      %add3A_170 = vector.broadcast %add3A_169 : i32 to vector<16xi32>
      %add3A_171 = arith.addi %add3A_168, %add3A_170 : vector<16xi32>
      %gather3A_172 = tpu.vector_load_idx %arg8[%add3A_171] : memref<7848xi32, #tpu.memory_space<vmem>>[vector<16xi32>], vector<16xi32>,
      %max3A_173 = arith.maxsi %gather3A_172, %broadcast_in_dim3A_110 : vector<16xi32>
      %min3A_174 = arith.minsi %max3A_173, %broadcast_in_dim3A_108 : vector<16xi32>
      %add3A_175 = arith.constant 0 : i32
      %add3A_176 = vector.broadcast %add3A_175 : i32 to vector<16xi32>
      %add3A_177 = arith.addi %min3A_174, %add3A_176 : vector<16xi32>
      %gather3A_178 = tpu.vector_load_idx %arg7[%add3A_177] : memref<82704xf32, #tpu.memory_space<vmem>>[vector<16xi32>], vector<16xf32>,
      %add3A_179 = arith.addf %add3A_156, %gather3A_178 : vector<16xf32>
      %add3A_180 = arith.constant 27570 : i32
      %add3A_181 = vector.broadcast %add3A_180 : i32 to vector<16xi32>
      %add3A_182 = arith.addi %min3A_174, %add3A_181 : vector<16xi32>
      %gather3A_183 = tpu.vector_load_idx %arg7[%add3A_182] : memref<82704xf32, #tpu.memory_space<vmem>>[vector<16xi32>], vector<16xf32>,
      %add3A_184 = arith.addf %add3A_161, %gather3A_183 : vector<16xf32>
      %add3A_185 = arith.constant 55140 : i32
      %add3A_186 = vector.broadcast %add3A_185 : i32 to vector<16xi32>
      %add3A_187 = arith.addi %min3A_174, %add3A_186 : vector<16xi32>
      %gather3A_188 = tpu.vector_load_idx %arg7[%add3A_187] : memref<82704xf32, #tpu.memory_space<vmem>>[vector<16xi32>], vector<16xf32>,
      %add3A_189 = arith.addf %add3A_166, %gather3A_188 : vector<16xf32>
      %add3A_190 = vector.broadcast %mul3A_124 : i32 to vector<16xi32>
      %add3A_191 = arith.addi %add3A_190, %iota3A : vector<16xi32>
      %add3A_192 = arith.constant 1748 : i32
      %add3A_193 = vector.broadcast %add3A_192 : i32 to vector<16xi32>
      %add3A_194 = arith.addi %add3A_191, %add3A_193 : vector<16xi32>
      %gather3A_195 = tpu.vector_load_idx %arg8[%add3A_194] : memref<7848xi32, #tpu.memory_space<vmem>>[vector<16xi32>], vector<16xi32>,
      %max3A_196 = arith.maxsi %gather3A_195, %broadcast_in_dim3A_110 : vector<16xi32>
      %min3A_197 = arith.minsi %max3A_196, %broadcast_in_dim3A_108 : vector<16xi32>
      %add3A_198 = arith.constant 0 : i32
      %add3A_199 = vector.broadcast %add3A_198 : i32 to vector<16xi32>
      %add3A_200 = arith.addi %min3A_197, %add3A_199 : vector<16xi32>
      %gather3A_201 = tpu.vector_load_idx %arg7[%add3A_200] : memref<82704xf32, #tpu.memory_space<vmem>>[vector<16xi32>], vector<16xf32>,
      %add3A_202 = arith.addf %add3A_179, %gather3A_201 : vector<16xf32>
      %add3A_203 = arith.constant 27570 : i32
      %add3A_204 = vector.broadcast %add3A_203 : i32 to vector<16xi32>
      %add3A_205 = arith.addi %min3A_197, %add3A_204 : vector<16xi32>
      %gather3A_206 = tpu.vector_load_idx %arg7[%add3A_205] : memref<82704xf32, #tpu.memory_space<vmem>>[vector<16xi32>], vector<16xf32>,
      %add3A_207 = arith.addf %add3A_184, %gather3A_206 : vector<16xf32>
      %add3A_208 = arith.constant 55140 : i32
      %add3A_209 = vector.broadcast %add3A_208 : i32 to vector<16xi32>
      %add3A_210 = arith.addi %min3A_197, %add3A_209 : vector<16xi32>
      %gather3A_211 = tpu.vector_load_idx %arg7[%add3A_210] : memref<82704xf32, #tpu.memory_space<vmem>>[vector<16xi32>], vector<16xf32>,
      %add3A_212 = arith.addf %add3A_189, %gather3A_211 : vector<16xf32>
      %add3A_213 = vector.broadcast %mul3A_124 : i32 to vector<16xi32>
      %add3A_214 = arith.addi %add3A_213, %iota3A : vector<16xi32>
      %add3A_215 = arith.constant 2622 : i32
      %add3A_216 = vector.broadcast %add3A_215 : i32 to vector<16xi32>
      %add3A_217 = arith.addi %add3A_214, %add3A_216 : vector<16xi32>
      %gather3A_218 = tpu.vector_load_idx %arg8[%add3A_217] : memref<7848xi32, #tpu.memory_space<vmem>>[vector<16xi32>], vector<16xi32>,
      %max3A_219 = arith.maxsi %gather3A_218, %broadcast_in_dim3A_110 : vector<16xi32>
      %min3A_220 = arith.minsi %max3A_219, %broadcast_in_dim3A_108 : vector<16xi32>
      %add3A_221 = arith.constant 0 : i32
      %add3A_222 = vector.broadcast %add3A_221 : i32 to vector<16xi32>
      %add3A_223 = arith.addi %min3A_220, %add3A_222 : vector<16xi32>
      %gather3A_224 = tpu.vector_load_idx %arg7[%add3A_223] : memref<82704xf32, #tpu.memory_space<vmem>>[vector<16xi32>], vector<16xf32>,
      %add3A_225 = arith.addf %add3A_202, %gather3A_224 : vector<16xf32>
      %add3A_226 = arith.constant 27570 : i32
      %add3A_227 = vector.broadcast %add3A_226 : i32 to vector<16xi32>
      %add3A_228 = arith.addi %min3A_220, %add3A_227 : vector<16xi32>
      %gather3A_229 = tpu.vector_load_idx %arg7[%add3A_228] : memref<82704xf32, #tpu.memory_space<vmem>>[vector<16xi32>], vector<16xf32>,
      %add3A_230 = arith.addf %add3A_207, %gather3A_229 : vector<16xf32>
      %add3A_231 = arith.constant 55140 : i32
      %add3A_232 = vector.broadcast %add3A_231 : i32 to vector<16xi32>
      %add3A_233 = arith.addi %min3A_220, %add3A_232 : vector<16xi32>
      %gather3A_234 = tpu.vector_load_idx %arg7[%add3A_233] : memref<82704xf32, #tpu.memory_space<vmem>>[vector<16xi32>], vector<16xf32>,
      %add3A_235 = arith.addf %add3A_212, %gather3A_234 : vector<16xf32>
      %add3A_236 = vector.broadcast %mul3A_124 : i32 to vector<16xi32>
      %add3A_237 = arith.addi %add3A_236, %iota3A : vector<16xi32>
      %add3A_238 = arith.constant 3488 : i32
      %add3A_239 = vector.broadcast %add3A_238 : i32 to vector<16xi32>
      %add3A_240 = arith.addi %add3A_237, %add3A_239 : vector<16xi32>
      %gather3A_241 = tpu.vector_load_idx %arg8[%add3A_240] : memref<7848xi32, #tpu.memory_space<vmem>>[vector<16xi32>], vector<16xi32>,
      %max3A_242 = arith.maxsi %gather3A_241, %broadcast_in_dim3A_110 : vector<16xi32>
      %min3A_243 = arith.minsi %max3A_242, %broadcast_in_dim3A_108 : vector<16xi32>
      %add3A_244 = arith.constant 0 : i32
      %add3A_245 = vector.broadcast %add3A_244 : i32 to vector<16xi32>
      %add3A_246 = arith.addi %min3A_243, %add3A_245 : vector<16xi32>
      %gather3A_247 = tpu.vector_load_idx %arg7[%add3A_246] : memref<82704xf32, #tpu.memory_space<vmem>>[vector<16xi32>], vector<16xf32>,
      %add3A_248 = arith.addf %add3A_225, %gather3A_247 : vector<16xf32>
      %add3A_249 = arith.constant 27570 : i32
      %add3A_250 = vector.broadcast %add3A_249 : i32 to vector<16xi32>
      %add3A_251 = arith.addi %min3A_243, %add3A_250 : vector<16xi32>
      %gather3A_252 = tpu.vector_load_idx %arg7[%add3A_251] : memref<82704xf32, #tpu.memory_space<vmem>>[vector<16xi32>], vector<16xf32>,
      %add3A_253 = arith.addf %add3A_230, %gather3A_252 : vector<16xf32>
      %add3A_254 = arith.constant 55140 : i32
      %add3A_255 = vector.broadcast %add3A_254 : i32 to vector<16xi32>
      %add3A_256 = arith.addi %min3A_243, %add3A_255 : vector<16xi32>
      %gather3A_257 = tpu.vector_load_idx %arg7[%add3A_256] : memref<82704xf32, #tpu.memory_space<vmem>>[vector<16xi32>], vector<16xf32>,
      %add3A_258 = arith.addf %add3A_235, %gather3A_257 : vector<16xf32>
      %add3A_259 = vector.broadcast %mul3A_124 : i32 to vector<16xi32>
      %add3A_260 = arith.addi %add3A_259, %iota3A : vector<16xi32>
      %add3A_261 = arith.constant 4362 : i32
      %add3A_262 = vector.broadcast %add3A_261 : i32 to vector<16xi32>
      %add3A_263 = arith.addi %add3A_260, %add3A_262 : vector<16xi32>
      %gather3A_264 = tpu.vector_load_idx %arg8[%add3A_263] : memref<7848xi32, #tpu.memory_space<vmem>>[vector<16xi32>], vector<16xi32>,
      %max3A_265 = arith.maxsi %gather3A_264, %broadcast_in_dim3A_110 : vector<16xi32>
      %min3A_266 = arith.minsi %max3A_265, %broadcast_in_dim3A_108 : vector<16xi32>
      %add3A_267 = arith.constant 0 : i32
      %add3A_268 = vector.broadcast %add3A_267 : i32 to vector<16xi32>
      %add3A_269 = arith.addi %min3A_266, %add3A_268 : vector<16xi32>
      %gather3A_270 = tpu.vector_load_idx %arg7[%add3A_269] : memref<82704xf32, #tpu.memory_space<vmem>>[vector<16xi32>], vector<16xf32>,
      %add3A_271 = arith.addf %add3A_248, %gather3A_270 : vector<16xf32>
      %add3A_272 = arith.constant 27570 : i32
      %add3A_273 = vector.broadcast %add3A_272 : i32 to vector<16xi32>
      %add3A_274 = arith.addi %min3A_266, %add3A_273 : vector<16xi32>
      %gather3A_275 = tpu.vector_load_idx %arg7[%add3A_274] : memref<82704xf32, #tpu.memory_space<vmem>>[vector<16xi32>], vector<16xf32>,
      %add3A_276 = arith.addf %add3A_253, %gather3A_275 : vector<16xf32>
      %add3A_277 = arith.constant 55140 : i32
      %add3A_278 = vector.broadcast %add3A_277 : i32 to vector<16xi32>
      %add3A_279 = arith.addi %min3A_266, %add3A_278 : vector<16xi32>
      %gather3A_280 = tpu.vector_load_idx %arg7[%add3A_279] : memref<82704xf32, #tpu.memory_space<vmem>>[vector<16xi32>], vector<16xf32>,
      %add3A_281 = arith.addf %add3A_258, %gather3A_280 : vector<16xf32>
      %add3A_282 = vector.broadcast %mul3A_124 : i32 to vector<16xi32>
      %add3A_283 = arith.addi %add3A_282, %iota3A : vector<16xi32>
      %add3A_284 = arith.constant 5236 : i32
      %add3A_285 = vector.broadcast %add3A_284 : i32 to vector<16xi32>
      %add3A_286 = arith.addi %add3A_283, %add3A_285 : vector<16xi32>
      %gather3A_287 = tpu.vector_load_idx %arg8[%add3A_286] : memref<7848xi32, #tpu.memory_space<vmem>>[vector<16xi32>], vector<16xi32>,
      %max3A_288 = arith.maxsi %gather3A_287, %broadcast_in_dim3A_110 : vector<16xi32>
      %min3A_289 = arith.minsi %max3A_288, %broadcast_in_dim3A_108 : vector<16xi32>
      %add3A_290 = arith.constant 0 : i32
      %add3A_291 = vector.broadcast %add3A_290 : i32 to vector<16xi32>
      %add3A_292 = arith.addi %min3A_289, %add3A_291 : vector<16xi32>
      %gather3A_293 = tpu.vector_load_idx %arg7[%add3A_292] : memref<82704xf32, #tpu.memory_space<vmem>>[vector<16xi32>], vector<16xf32>,
      %add3A_294 = arith.addf %add3A_271, %gather3A_293 : vector<16xf32>
      %add3A_295 = arith.constant 27570 : i32
      %add3A_296 = vector.broadcast %add3A_295 : i32 to vector<16xi32>
      %add3A_297 = arith.addi %min3A_289, %add3A_296 : vector<16xi32>
      %gather3A_298 = tpu.vector_load_idx %arg7[%add3A_297] : memref<82704xf32, #tpu.memory_space<vmem>>[vector<16xi32>], vector<16xf32>,
      %add3A_299 = arith.addf %add3A_276, %gather3A_298 : vector<16xf32>
      %add3A_300 = arith.constant 55140 : i32
      %add3A_301 = vector.broadcast %add3A_300 : i32 to vector<16xi32>
      %add3A_302 = arith.addi %min3A_289, %add3A_301 : vector<16xi32>
      %gather3A_303 = tpu.vector_load_idx %arg7[%add3A_302] : memref<82704xf32, #tpu.memory_space<vmem>>[vector<16xi32>], vector<16xf32>,
      %add3A_304 = arith.addf %add3A_281, %gather3A_303 : vector<16xf32>
      %add3A_305 = vector.broadcast %mul3A_124 : i32 to vector<16xi32>
      %add3A_306 = arith.addi %add3A_305, %iota3A : vector<16xi32>
      %add3A_307 = arith.constant 6110 : i32
      %add3A_308 = vector.broadcast %add3A_307 : i32 to vector<16xi32>
      %add3A_309 = arith.addi %add3A_306, %add3A_308 : vector<16xi32>
      %gather3A_310 = tpu.vector_load_idx %arg8[%add3A_309] : memref<7848xi32, #tpu.memory_space<vmem>>[vector<16xi32>], vector<16xi32>,
      %max3A_311 = arith.maxsi %gather3A_310, %broadcast_in_dim3A_110 : vector<16xi32>
      %min3A_312 = arith.minsi %max3A_311, %broadcast_in_dim3A_108 : vector<16xi32>
      %add3A_313 = arith.constant 0 : i32
      %add3A_314 = vector.broadcast %add3A_313 : i32 to vector<16xi32>
      %add3A_315 = arith.addi %min3A_312, %add3A_314 : vector<16xi32>
      %gather3A_316 = tpu.vector_load_idx %arg7[%add3A_315] : memref<82704xf32, #tpu.memory_space<vmem>>[vector<16xi32>], vector<16xf32>,
      %add3A_317 = arith.addf %add3A_294, %gather3A_316 : vector<16xf32>
      %add3A_318 = arith.constant 27570 : i32
      %add3A_319 = vector.broadcast %add3A_318 : i32 to vector<16xi32>
      %add3A_320 = arith.addi %min3A_312, %add3A_319 : vector<16xi32>
      %gather3A_321 = tpu.vector_load_idx %arg7[%add3A_320] : memref<82704xf32, #tpu.memory_space<vmem>>[vector<16xi32>], vector<16xf32>,
      %add3A_322 = arith.addf %add3A_299, %gather3A_321 : vector<16xf32>
      %add3A_323 = arith.constant 55140 : i32
      %add3A_324 = vector.broadcast %add3A_323 : i32 to vector<16xi32>
      %add3A_325 = arith.addi %min3A_312, %add3A_324 : vector<16xi32>
      %gather3A_326 = tpu.vector_load_idx %arg7[%add3A_325] : memref<82704xf32, #tpu.memory_space<vmem>>[vector<16xi32>], vector<16xf32>,
      %add3A_327 = arith.addf %add3A_304, %gather3A_326 : vector<16xf32>
      %add3A_328 = vector.broadcast %mul3A_124 : i32 to vector<16xi32>
      %add3A_329 = arith.addi %add3A_328, %iota3A : vector<16xi32>
      %add3A_330 = arith.constant 6976 : i32
      %add3A_331 = vector.broadcast %add3A_330 : i32 to vector<16xi32>
      %add3A_332 = arith.addi %add3A_329, %add3A_331 : vector<16xi32>
      %gather3A_333 = tpu.vector_load_idx %arg8[%add3A_332] : memref<7848xi32, #tpu.memory_space<vmem>>[vector<16xi32>], vector<16xi32>,
      %max3A_334 = arith.maxsi %gather3A_333, %broadcast_in_dim3A_110 : vector<16xi32>
      %min3A_335 = arith.minsi %max3A_334, %broadcast_in_dim3A_108 : vector<16xi32>
      %add3A_336 = arith.constant 0 : i32
      %add3A_337 = vector.broadcast %add3A_336 : i32 to vector<16xi32>
      %add3A_338 = arith.addi %min3A_335, %add3A_337 : vector<16xi32>
      %gather3A_339 = tpu.vector_load_idx %arg7[%add3A_338] : memref<82704xf32, #tpu.memory_space<vmem>>[vector<16xi32>], vector<16xf32>,
      %add3A_340 = arith.addf %add3A_317, %gather3A_339 : vector<16xf32>
      %add3A_341 = arith.constant 27570 : i32
      %add3A_342 = vector.broadcast %add3A_341 : i32 to vector<16xi32>
      %add3A_343 = arith.addi %min3A_335, %add3A_342 : vector<16xi32>
      %gather3A_344 = tpu.vector_load_idx %arg7[%add3A_343] : memref<82704xf32, #tpu.memory_space<vmem>>[vector<16xi32>], vector<16xf32>,
      %add3A_345 = arith.addf %add3A_322, %gather3A_344 : vector<16xf32>
      %add3A_346 = arith.constant 55140 : i32
      %add3A_347 = vector.broadcast %add3A_346 : i32 to vector<16xi32>
      %add3A_348 = arith.addi %min3A_335, %add3A_347 : vector<16xi32>
      %gather3A_349 = tpu.vector_load_idx %arg7[%add3A_348] : memref<82704xf32, #tpu.memory_space<vmem>>[vector<16xi32>], vector<16xf32>,
      %add3A_350 = arith.addf %add3A_327, %gather3A_349 : vector<16xf32>
      %get3A = arith.index_cast %mul3A_124 : i32 to index
      %get3A_351 = tpu.vector_load %arg9[%get3A] {strides = array<i32>} : memref<864xf32, #tpu.memory_space<vmem>>, vector<16xf32>,
      %div3A = arith.constant 1.000000e+00 : f32
      %div3A_352 = vector.broadcast %div3A : f32 to vector<16xf32>
      %div3A_353 = arith.divf %div3A_352, %get3A_351 : vector<16xf32>
      %mul3A_354 = arith.mulf %add3A_340, %div3A_353 : vector<16xf32>
      %sub3A = arith.subf %gather3A, %mul3A_354 : vector<16xf32>
      %mul3A_355 = arith.mulf %add3A_345, %div3A_353 : vector<16xf32>
      %sub3A_356 = arith.subf %gather3A_134, %mul3A_355 : vector<16xf32>
      %mul3A_357 = arith.mulf %add3A_350, %div3A_353 : vector<16xf32>
      %sub3A_358 = arith.subf %gather3A_138, %mul3A_357 : vector<16xf32>
      %get3A_359 = arith.index_cast %mul3A_124 : i32 to index
      %get3A_360 = tpu.vector_load %arg10[%get3A_359] {strides = array<i32>} : memref<864xf32, #tpu.memory_space<vmem>>, vector<16xf32>,
      %mul3A_361 = arith.mulf %sub3A, %sub3A : vector<16xf32>
      %mul3A_362 = arith.mulf %sub3A_356, %sub3A_356 : vector<16xf32>
      %add3A_363 = arith.addf %mul3A_361, %mul3A_362 : vector<16xf32>
      %mul3A_364 = arith.mulf %sub3A_358, %sub3A_358 : vector<16xf32>
      %add3A_365 = arith.addf %add3A_363, %mul3A_364 : vector<16xf32>
      %mul3A_366 = arith.mulf %add3A_365, %get3A_360 : vector<16xf32>
      %lt3A = arith.constant 27554 : i32
      %lt3A_367 = vector.broadcast %lt3A : i32 to vector<16xi32>
      %lt3A_368 = arith.cmpi slt, %add3A_127, %lt3A_367 : vector<16xi32>
      %jit3A = arith.constant 0.000000e+00 : f32
      %broadcast_in_dim3A_369 = vector.broadcast %jit3A : f32 to vector<16xf32>
      %select_n3A = arith.select %lt3A_368, %mul3A_366, %broadcast_in_dim3A_369 : vector<16xi1>, vector<16xf32>
      %add3A_370 = arith.addf %scan3A_122, %select_n3A : vector<16xf32>
      scf.yield %add3A_370 : vector<16xf32>
    }
    %scan3A_117 = arith.constant 54 : i32
    %swap3A = arith.constant 0 : index
    %swap3A_118 = tpu.vector_load %arg11[%swap3A] {strides = array<i32>} : memref<16xf32, #tpu.memory_space<vmem>>, vector<16xf32>,
    tpu.vector_store %arg11[%swap3A], %scan3A_116 {strides = array<i32>} : memref<16xf32, #tpu.memory_space<vmem>>, vector<16xf32>,
    %mul3A_119 = arith.constant 16 : i32
    %mul3A_120 = arith.muli %add3A, %mul3A_119 : i32
    "tpu.region"() ({
      %run_scoped3A = tpu.sem_alloc : memref<!tpu.dma_semaphore, #tpu.memory_space<semaphore_mem>>
      %dma_start3A_121 = tpu.memref_slice %arg6[%mul3A_120] : memref<512xf32, #tpu.memory_space<hbm>> -> memref<16xf32, #tpu.memory_space<hbm>>
      %dma_start3A_122 = tpu.memref_slice %arg6[%mul3A_120] : memref<512xf32, #tpu.memory_space<hbm>> -> memref<16xf32, #tpu.memory_space<hbm>>
      tpu.enqueue_dma source(%arg11 : memref<16xf32, #tpu.memory_space<vmem>>) target(%dma_start3A_122 : memref<16xf32, #tpu.memory_space<hbm>>) target_semaphore(%run_scoped3A : memref<!tpu.dma_semaphore, #tpu.memory_space<semaphore_mem>>)
      %dma_wait3A_123 = tpu.memref_slice %arg6[%mul3A_120] : memref<512xf32, #tpu.memory_space<hbm>> -> memref<16xf32, #tpu.memory_space<hbm>>
      %dma_wait3A_124 = tpu.memref_slice %arg6[%mul3A_120] : memref<512xf32, #tpu.memory_space<hbm>> -> memref<16xf32, #tpu.memory_space<hbm>>
      tpu.wait_dma2 semaphore(%run_scoped3A : memref<!tpu.dma_semaphore, #tpu.memory_space<semaphore_mem>>) src(%arg11 : memref<16xf32, #tpu.memory_space<vmem>>) dst(%dma_wait3A_124 : memref<16xf32, #tpu.memory_space<hbm>>)
      tpu.yield
    }) : () -> ()
    return
  }
}

module attributes {stable_mosaic.version = 14 : i64} {
  func.func @_final_body(%arg0: memref<32x16xf32, #tpu.memory_space<vmem>>, %arg1: memref<1x1xf32, #tpu.memory_space<vmem>>) attributes {dimension_semantics = [], scalar_prefetch = 0 : i64, scratch_operands = 0 : i64, tpu.core_type = #tpu.core_type<tc>} {
    %get3A = arith.constant 0 : index
    %get3A_0 = arith.constant 0 : index
    %get3A_1 = vector.load %arg0[%get3A, %get3A_0] : memref<32x16xf32, #tpu.memory_space<vmem>>, vector<32x16xf32>
    %reduce_sum3A = vector.shape_cast %get3A_1 : vector<32x16xf32> to vector<1x32x16xf32>
    %reduce_sum3A_2 = arith.constant dense<0.000000e+00> : vector<1xf32>
    %reduce_sum3A_3 = vector.multi_reduction <add>, %reduce_sum3A, %reduce_sum3A_2 [1, 2] : vector<1x32x16xf32> to vector<1xf32>
    %reduce_sum3A_4 = vector.shape_cast %reduce_sum3A_3 : vector<1xf32> to vector<1x1x1xf32>
    %reduce_sum3A_5 = vector.extract %reduce_sum3A_4[0, 0, 0] : f32 from vector<1x1x1xf32>
    %mul3A = arith.constant 1.20974573E-5 : f32
    %mul3A_6 = arith.mulf %reduce_sum3A_5, %mul3A : f32
    %reshape3A = vector.broadcast %mul3A_6 : f32 to vector<1x1xf32>
    %swap3A = arith.constant 0 : index
    %swap3A_7 = arith.constant 0 : index
    %swap3A_8 = vector.load %arg1[%swap3A, %swap3A_7] : memref<1x1xf32, #tpu.memory_space<vmem>>, vector<1x1xf32>
    tpu.vector_store %arg1[%swap3A, %swap3A_7], %reshape3A {strides = array<i32>} : memref<1x1xf32, #tpu.memory_space<vmem>>, vector<1x1xf32>,
    return
  }
}

</mosaic_0001>

<sc_bundles>
// kernel: kernel.4.cloned.1.call-start
scs
__scs_entry_jumppad:
0x0: {  	(pc) =	sbr.rel $0x88, $3  }
0x1: {  	(tag) =	ssettag $0x0;
	lr =	simm.s32 $0x1  }
0x2: {  	[smem:$0x3F9C] =	sst lr;
	_ =	strace $0xD0000000  }
0x3: {  	_ = 	snop  }
0x4: {  	_ = 	snop  }
0x5: {  	_ = 	snop  }
0x6: {  	_ = 	snop  }
0x7: {  	_ = 	snop  }
__scs_overlays_trampoline_lowered:
0x8: {  	[smem:$0x3FAB] =	sst s0  }
0x9: {  	[smem:$0x3FAC] =	sst s1  }
0xa: {  	[smem:$0x3FAD] =	sst s2  }
0xb: {  	[smem:$0x3FAE] =	sst s3  }
0xc: {  	[smem:$0x3FAF] =	sst s4  }
0xd: {  	[smem:$0x3FB0] =	sst s5  }
0xe: {  	[smem:$0x3FB1] =	sst s6  }
0xf: {  	[smem:$0x3FB2] =	sst s7  }
0x10: {  	[smem:$0x3FB3] =	sst s8  }
0x11: {  	[smem:$0x3FB4] =	sst s9;
	s0 =	simm.s32 @!p0 $0x0  }
0x12: {  	s1 =	sld [smem:$0x3F9A];
	s0 =	simm.s32 @p0 $0x1  }
0x13: {  	[smem:$0x3FB5] =	sst s0;
	s0 =	simm.s32 @!p1 $0x0  }
0x14: {  	s2 =	sld [smem:$0x3F99];
	s0 =	simm.s32 @p1 $0x1  }
0x15: {  	[smem:$0x3FB6] =	sst s0;
	s0 =	simm.s32 @!p2 $0x0  }
0x16: {  	s3 =	sld [smem:$0x3FDB];
	s0 =	simm.s32 @p2 $0x1  }
0x17: {  	s4 =	simm.s32 $0x1BF5;
	[smem:$0x3FB8] =	sst s0  }
0x18: {  	s0 =	sld [smem:$0x3F9B];
	_ =	swait.ge [sflag:s4], $0x0  }
0x19: {  	s7 =	sld [smem:$0x3F9C]  }
0x1a: {  	s8 =	sadd.s32 $0xFFFFE003, lr  }
0x1b: {  	s9 =	sadd.s32 $0xFFFFFEF7, lr;
	s5 =	simm.s32 $0xFFFFFFFF;
	p2 =	slt.u32 s8, $0xFFFFF086  }
0x1c: {  	p1 =	slt.u32 s9, $0xF7A;
	s5 =	simm.s32 @!p2 $0x0  }
0x1d: {  	s5 =	simm.s32 @p1 $0x1;
	p0 =	seq.s32 s7, s2  }
0x1e: {  	s7 =	smul.u32 @!p0 $0xF7A, s2;
	p2 =	seq.s32 @!p0 s5, $0x0  }
0x1f: {  	s9 =	smul.u32 $0xF7A, s1;
	s8 =	simm.s32 @!p0 $0x1BF5;
	p2 =	por !p2, p0  }
0x20: {  	[sflag:s8] =	ssyncset.s32 @!p0 $0xFFFFF086;
	s6 =	sadd.s32 @!p0 s3, s7;
	s7 =	simm.s32 @!p0 $0x108  }
0x21: {  	s3 =	sadd.s32 s3, s9;
	s6 =	sadd.s32 @!p0 $0x88, s6;
	s7 =	simm.s32 @p2 $0x1082  }
0x22: {  	[simem:s7], [sflag:s8] =	dma.local @!p0 [hbm:s6], $0xF7A  }
0x23: {  	s9 =	sor.u32 $0xD0000000, s2;
	s6 =	simm.s32 $0x108;
	_ =	swait.ge @!p0 [sflag:s8], $0x0  }
0x24: {  	s3 =	sadd.s32 $0x88, s3;
	s6 =	simm.s32 @!p1 $0x1082;
	[sflag:s4] =	ssyncset.s32 $0xFFFFF086  }
0x25: {  	[simem:s6], [sflag:s4] =	dma.local [hbm:s3], $0xF7A  }
0x26: {  	[smem:$0x3F9C] =	sst s1;
	(tag) =	ssettag s2;
	_ =	strace s9  }
0x27: {  	s1 =	sld [smem:$0x3FAC]  }
0x28: {  	s2 =	sld [smem:$0x3FAD]  }
0x29: {  	s4 =	sld [smem:$0x3FAF]  }
0x2a: {  	p0 =	seq.s32 s5, $0x0;
	s5 =	sld [smem:$0x3FB0]  }
0x2b: {  	s6 =	sld [smem:$0x3FB1]  }
0x2c: {  	s7 =	sld [smem:$0x3FB2]  }
0x2d: {  	s3 =	simm.s32 $0x108;
	s8 =	sld [smem:$0x3FB3]  }
0x2e: {  	s3 =	simm.s32 @!p0 $0x1082;
	s9 =	sld [smem:$0x3FB4]  }
0x2f: {  	lr =	sadd.s32 s0, s3;
	s0 =	sld [smem:$0x3FAB]  }
0x30: {  	s3 =	sld [smem:$0x3FAE]  }
0x31: {  	[smem:$0x3FB7] =	sst s10  }
0x32: {  	s10 =	sld [smem:$0x3FB5];
	_ =	sdelay $0x3  }
0x33: {  	p0 =	seq.s32 s10, $0x1;
	s10 =	sld [smem:$0x3FB7];
	_ =	sdelay $0x3  }
0x34: {  	[smem:$0x3FB7] =	sst s10  }
0x35: {  	s10 =	sld [smem:$0x3FB6];
	_ =	sdelay $0x3  }
0x36: {  	p1 =	seq.s32 s10, $0x1;
	s10 =	sld [smem:$0x3FB7];
	_ =	sdelay $0x3  }
0x37: {  	[smem:$0x3FB7] =	sst s10  }
0x38: {  	s10 =	sld [smem:$0x3FB8]  }
0x39: {  	_ = 	snop;
	(pc) =	sbr.ind lr, $3  }
0x3a: {  	_ = 	snop  }
0x3b: {  	_ = 	snop  }
0x3c: {  	p2 =	seq.s32 s10, $0x1;
	s10 =	sld [smem:$0x3FB7]  }
0x3d: {  	_ =	shalt  }
0x3e: {  	_ =	shalt  }
0x3f: {  	_ =	shalt  }
0x40: {  	_ =	shalt  }
0x41: {  	_ =	shalt  }
0x42: {  	_ =	shalt  }
0x43: {  	_ =	shalt  }
0x44: {  	_ =	shalt  }
0x45: {  	_ =	shalt  }
0x46: {  	_ =	shalt  }
0x47: {  	_ =	shalt  }
0x48: {  	_ =	shalt  }
0x49: {  	_ =	shalt  }
0x4a: {  	_ =	shalt  }
0x4b: {  	_ =	shalt  }
0x4c: {  	_ =	shalt  }
0x4d: {  	_ =	shalt  }
0x4e: {  	_ =	shalt  }
0x4f: {  	_ =	shalt  }
0x50: {  	_ =	shalt  }
0x51: {  	_ =	shalt  }
0x52: {  	_ =	shalt  }
0x53: {  	_ =	shalt  }
0x54: {  	_ =	shalt  }
0x55: {  	_ =	shalt  }
0x56: {  	_ =	shalt  }
0x57: {  	_ =	shalt  }
0x58: {  	_ =	shalt  }
0x59: {  	_ =	shalt  }
0x5a: {  	_ =	shalt  }
0x5b: {  	_ =	shalt  }
0x5c: {  	_ =	shalt  }
0x5d: {  	_ =	shalt  }
0x5e: {  	_ =	shalt  }
0x5f: {  	_ =	shalt  }
0x60: {  	_ =	shalt  }
0x61: {  	_ =	shalt  }
0x62: {  	_ =	shalt  }
0x63: {  	_ =	shalt  }
0x64: {  	_ =	shalt  }
0x65: {  	_ =	shalt  }
0x66: {  	_ =	shalt  }
0x67: {  	_ =	shalt  }
0x68: {  	_ =	shalt  }
0x69: {  	_ =	shalt  }
0x6a: {  	_ =	shalt  }
0x6b: {  	_ =	shalt  }
0x6c: {  	_ =	shalt  }
0x6d: {  	_ =	shalt  }
0x6e: {  	_ =	shalt  }
0x6f: {  	_ =	shalt  }
0x70: {  	_ =	shalt  }
0x71: {  	_ =	shalt  }
0x72: {  	_ =	shalt  }
0x73: {  	_ =	shalt  }
0x74: {  	_ =	shalt  }
0x75: {  	_ =	shalt  }
0x76: {  	_ =	shalt  }
0x77: {  	_ =	shalt  }
0x78: {  	_ =	shalt  }
0x79: {  	_ =	shalt  }
0x7a: {  	_ =	shalt  }
0x7b: {  	_ =	shalt  }
0x7c: {  	_ =	shalt  }
0x7d: {  	_ =	shalt  }
0x7e: {  	_ =	shalt  }
0x7f: {  	_ =	shalt  }
0x80: {  	_ =	shalt  }
0x81: {  	_ =	shalt  }
0x82: {  	_ =	shalt  }
0x83: {  	_ =	shalt  }
0x84: {  	_ =	shalt  }
0x85: {  	_ =	shalt  }
0x86: {  	_ =	shalt  }
0x87: {  	_ =	shalt  }
.Lfunc_end0:
.L_simem_size_0:
called_computation_lowered:
.L_overlay_start_0:
0x88: {  	s2 =	sld [smem:$0x3FD9]  }
0x89: {  	s3 =	sld [smem:$0x3FFE];
	_ =	sdelay $0x1  }
0x8a: {  	s1 =	srdreg.scid  }
0x8b: {  	s0 =	sand.u32 $0x1, s1  }
0x8c: {  	s17 =	sshll.u32 s0, $0xA;
	s2 =	sadd.s32 s3, s2  }
0x8d: {  	s2 =	sadd.s32 s2, s17  }
0x8e: {  	[smem:$0x3FC3] =	sst s2  }
0x8f: {  	_ = 	snop  }
0x90: {  	s2 =	sld [smem:$0x3FC6]  }
0x91: {  	s18 =	sld [smem:$0x3FC5];
	(tm) =	ssettm $0x1  }
0x92: {  	s4 =	sld [smem:$0x3FFB];
	_ =	sdelay $0x3  }
0x93: {  	_ =	strace s4  }
0x94: {  	s4 =	sld [smem:$0x3FFC];
	_ =	sdelay $0x3  }
0x95: {  	_ =	strace s4  }
0x96: {  	s4 =	sld [smem:$0x3FFD];
	_ =	sdelay $0x3  }
0x97: {  	_ =	strace s4  }
0x98: {  	_ =	strace $0x8FFFFFFF  }
0x99: {  	s19 =	sld [smem:$0x3FDB];
	_ =	sdelay $0x1  }
0x9a: {  	s5 =	simm.s32 $_scs_section_size  }
0x9b: {  	s6 =	simm.s32 $_size__tile_overlayer_lowered;
	s7 =	simm.s32 $_tile_overlayer_lowered  }
0x9c: {  	s22 =	simm.s32 $0x1BFF;
	s21 =	sshll.u32 s7, $0x1;
	s4 =	sadd.s32 s5, s19  }
0x9d: {  	s8 =	simm.s32 $0x0;
	s20 =	sshll.u32 s6, $0x1;
	s6 =	sadd.s32 s21, s4  }
0x9e: {  	[timem:s8], [sflag:s22] =	dma.local [hbm:s6], s20  }
0x9f: {  	_ =	swait.ge [sflag:s22], s20  }
0xa0: {  	s5 =	ssub.s32 $0x0, s20;
	[sflag:s22] =	ssyncset.done $0x0  }
0xa1: {  	[sflag:s22] =	ssyncadd.s32 s5;
	_ =	sdelay $0x1  }
0xa2: {  	s23 =	simm.s32 $0x1B8B  }
0xa3: {  	_ =	swait.ge [sflag:s23], $0x1  }
0xa4: {  	[sflag:s23] =	ssyncset.done $0x0  }
0xa5: {  	s25 =	simm.s32 $0x1B8E;
	s24 =	sld [smem:$0x3FFE];
	[sflag:s23] =	ssyncadd.s32 $0xFFFFFFFF  }
0xa6: {  	s26 =	simm.s32 $execute0_lowered;
	[smem:$0x3FD2] =	sst s25  }
0xa7: {  	s6 =	sshll.u32 s26, $0x1;
	_ =	strace $0x80000046;
	[dreg:$0x1] =	wrdreg $0xFFFFFFFF  }
0xa8: {  	s28 =	simm.s32 $_size_execute0_lowered;
	s4 =	sadd.s32 s4, s6;
	[dreg:$0x0] =	wrdreg $0x0  }
0xa9: {  	s6 =	sshll.u32 s28, $0x1;
	[dreg:$0x2] =	wrdreg s4  }
0xaa: {  	[dreg:$0x3] =	wrdreg s6  }
0xab: {  	[dreg:$0x4] =	wrdreg $0xC0  }
0xac: {  	_ =	task [dreg:s8], $0x5FFFF  }
0xad: {  	[dreg:$0x1] =	wrdreg $0xFFFFFFFF  }
0xae: {  	[dreg:$0x0] =	wrdreg $0x60  }
0xaf: {  	[dreg:$0x2] =	wrdreg s24  }
0xb0: {  	[dreg:$0x3] =	wrdreg s2  }
0xb1: {  	[dreg:$0x4] =	wrdreg s18  }
0xb2: {  	[dreg:$0x5] =	wrdreg $0x168880  }
0xb3: {  	[dreg:$0x6] =	wrdreg $0x9  }
0xb4: {  	_ =	task.clear_ibuf [dreg:s8], $0x7FFFF;
	_ =	strace $0x90000046  }
0xb5: {  	s29 =	simm.s32 $0x9;
	_ =	strace $0x80000048  }
0xb6: {  	_ =	swait.ge [sflag:s29], $0x1  }
0xb7: {  	[sflag:s29] =	ssyncadd.s32 $0xFFFFFFFF  }
0xb8: {  	_ =	strace $0x90000048  }
0xb9: {  	_ =	sfence  }
0xba: {  	s30 =	sld [smem:$0x0];
	_ =	sdelay $0x2  }
0xbb: {  	s31 =	sshll.u32 s1, $0xD;
	s1 =	sshrl.u32 s1, $0x2  }
0xbc: {  	s3 =	sand.u32 $0x4000, s31;
	s1 =	sadd.s32 s1, s30  }
0xbd: {  	s0 =	sor.u32 s3, s0;
	s1 =	sshll.u32 s1, $0x11  }
0xbe: {  	s0 =	sor.u32 s1, s0  }
0xbf: {  	s0 =	sadd.s32 $0x8F2B, s0  }
0xc0: {  	[sflag:s0] =	ssyncadd.remote.s32 $0x1  }
0xc1: {  	_ =	sfence.sel $0xFFFF  }
0xc2: {  	[dreg:$0x0] =	wrdreg $0xFFFFFFFF;
	(pc) =	sbr.abs _section_cstart, $3  }
0xc3: {  	[dreg:$0x1] =	wrdreg $0xFFFFFFFF  }
0xc4: {  	_ =	task.clear_ibuf [dreg:s8], $0x2FFFF;
	_ =	strace $0x9FFFFFFF  }
0xc5: {  	(tm) =	ssettm $0x7FFFFFFF  }
tec
execute0_lowered:
.L_overlay_start_1:
0x0: {  	(tag) =	ssettag $0x1  }
0x1: {  	s0 =	rddreg [dreg:$0x0]  }
0x2: {  	s1 =	rddreg [dreg:$0x1]  }
0x3: {  	s3 =	rddreg [dreg:$0x2]  }
0x4: {  	s30 =	rddreg [dreg:$0x3];
	s2 =	simm.s32 $0x0;
	s4 =	srdreg.scid  }
0x5: {  	s6 =	stileid.u32;
	[smem:$0x7FF] =	sst s2;
	s8 =	sand.u32 $0x1, s4  }
0x6: {  	s15 =	sshll.u32 s6, $0x1;
	s5 =	sadd.s32 $0x600, s0;
	s10 =	sadd.s32 $0x3000, s0  }
0x7: {  	s7 =	sadd.s32 $0x2E5C, s0;
	s21 =	smul.u32 $0x6C0, s6;
	s24 =	sadd.s32 $0x3D14, s0  }
0x8: {  	s25 =	sadd.s32 $0x4A88, s0;
	s26 =	sadd.s32 $0x57FC, s0;
	p0 =	sne.s32 s6, $0x0  }
0x9: {  	s29 =	sadd.s32 $0x6BA0, s30;
	_ =	strace $0x80000047;
	[dreg:$0x5] =	wrdreg s5  }
0xa: {  	s30 =	sadd.s32 $0xD740, s30;
	s6 =	simm.s32 $0x1;
	[dreg:$0x6] =	wrdreg s7  }
0xb: {  	s9 =	sor.u32 s8, s15;
	s16 =	ssub.s32 $0x2, s8;
	[dreg:$0xd] =	wrdreg s24  }
0xc: {  	s5 =	sadd.s32 $0x20E8, s0;
	s8 =	smul.u32 $0x360, s8;
	[dreg:$0xe] =	wrdreg s25  }
0xd: {  	[dreg:$0xf] =	wrdreg s26;
	s24 =	sadd.s32 $0xD14, s1;
	s25 =	sadd.s32 $0xD14, s3  }
0xe: {  	s4 =	sshll.u32 s9, $0x1;
	s17 =	sshrl.u32 s16, $0x1;
	s12 =	smul.u32 $0x360, s9  }
0xf: {  	p1 =	seq.s32 s9, $0x1F;
	s9 =	simm.s32 $0x2;
	s11 =	sadd.s32 s4, s0  }
0x10: {  	s13 =	ssub.s32 s16, s17;
	s4 =	sadd.s32 $0x1374, s0;
	s17 =	sadd.s32 s8, s21  }
0x11: {  	s21 =	sadd.s32 $0x8DCD, s0;
	s8 =	simm.s32 $0x14310;
	s14 =	sshrl.u32 s12, $0x3  }
0x12: {  	s15 =	sadd.s32 $0x1AE88, s12;
	s16 =	sadd.s32 $0x21A28, s12;
	s19 =	sadd.s32 $0x285C8, s12  }
0x13: {  	s12 =	sadd.s32 $0x2F168, s12;
	s26 =	sadd.s32 $0xAA00, s11;
	s28 =	smax.u32 s13, $0x1  }
0x14: {  	s7 =	sadd.s32 s10, s14;
	s15 =	sshrl.u32 s15, $0x3;
	s18 =	sshrl.u32 s16, $0x3  }
0x15: {  	s20 =	sshrl.u32 s19, $0x3;
	s12 =	sshrl.u32 s12, $0x3;
	s22 =	sadd.s32 s1, s14  }
0x16: {  	v0 =	vlaneseq.u32;
	v2 =	vimm.s32 $0x10765432;
	s23 =	sadd.s32 s3, s14;
	s19 =	sadd.s32 $0x72E5, s0;
	[dreg:$0xb] =	wrdreg s22  }
0x17: {  	v3 =	vimm.s32 $0x32107654;
	v5 =	vimm.s32 $0x54321076;
	v1 =	vand.u32 $0x7, v0;
	s15 =	sadd.s32 s10, s15;
	[dreg:$0xc] =	wrdreg s23;
	s22 =	sadd.s32 $0x9B41, s0  }
0x18: {  	v4 =	vunpack.c.l.s4.s8 v2;
	v6 =	vunpack.c.l.s4.s8 v3;
	v3 =	vadd.s32 $0x36A, v0;
	s23 =	sadd.s32 $0xA8B6, s0;
	s31 =	sadd.s32 $0xD74, s7;
	s3 =	sadd.s32 $0x285C, s7  }
0x19: {  	v8 =	vunpack.c.l.s4.s8 v5;
	v5 =	vadd.s32 $0x6D4, v0;
	v7 =	vadd.s32 $0xA3E, v0;
	s1 =	sadd.s32 $0x6BA2, s7;
	[dreg:$0x7] =	wrdreg s15;
	s15 =	sadd.s32 s10, s18  }
0x1a: {  	v9 =	vor.u32 $0xDA0, v0;
	v10 =	vadd.s32 $0x110A, v0;
	v11 =	vadd.s32 $0x1474, v0;
	s18 =	sadd.s32 $0x6570, s0;
	[dreg:$0x8] =	wrdreg s15;
	s15 =	sadd.s32 s10, s20  }
0x1b: {  	v12 =	vadd.s32 $0x17DE, v0;
	v13 =	vor.u32 $0x1B40, v0;
	v2 =	vor.u32 $0xFFFFFFF8, v1;
	s10 =	sadd.s32 s10, s12;
	s20 =	sadd.s32 $0x8059, s0;
	[dreg:$0x9] =	wrdreg s15  }
0x1c: {  	v4 =	vunpack.c.0.s8.s32 v4;
	v6 =	vunpack.c.0.s8.s32 v6;
	v8 =	vunpack.c.0.s8.s32 v8;
	s0 =	sadd.s32 $0x1AE8, s7;
	[dreg:$0xa] =	wrdreg s10;
	s10 =	simm.s32 $0x0  }
.LBB2_1:
0x1d: {  	s13 =	rddreg [dreg:$0x3]  }
0x1e: {  	s12 =	simm.s32 @!p0 $0x1C01;
	s14 =	rddreg [dreg:$0x5];
	s11 =	sshrl.u32 @!p0 s13, $0x3  }
0x1f: {  	[spmem:s11], [sflag:s12] =	dma.local @!p0 [hbm:s14], $0xD74  }
0x20: {  	s11 =	sshrl.u32 @!p0 s29, $0x3  }
0x21: {  	[spmem:s11], [sflag:s12] =	dma.local @!p0 [hbm:s4], $0xD74  }
0x22: {  	s11 =	sshrl.u32 @!p0 s30, $0x3  }
0x23: {  	[spmem:s11], [sflag:s12] =	dma.local @!p0 [hbm:s5], $0xD74  }
0x24: {  	s11 =	simm.s32 @!p0 $0x1  }
0x25: {  	_ =	swait.ge @!p0 [sflag:s11], $0xD74  }
0x26: {  	[sflag:s11] =	ssyncset.done @!p0 $0x0  }
0x27: {  	[sflag:s11] =	ssyncadd.s32 @!p0 $0xFFFFF28C  }
0x28: {  	_ =	swait.ge @!p0 [sflag:s11], $0xD74  }
0x29: {  	[sflag:s11] =	ssyncset.done @!p0 $0x0  }
0x2a: {  	[sflag:s11] =	ssyncadd.s32 @!p0 $0xFFFFF28C  }
0x2b: {  	_ =	swait.ge @!p0 [sflag:s11], $0xD74  }
0x2c: {  	[sflag:s11] =	ssyncset.done @!p0 $0x0  }
0x2d: {  	s12 =	simm.s32 $0x6BA0;
	[sflag:s11] =	ssyncadd.s32 @!p0 $0xFFFFF28C  }
0x2e: {  	[tilespmem:s12], [sflag:$0x1] =	stream.linear.gather [hbm4b:s4+s2], $0x2, $0x38;
	[tilespmem:$0x17CB8] =	vst v63  }
0x2f: {  	s14 =	simm.s32 $0xD750  }
0x30: {  	[tilespmem:s14], [sflag:$0x1] =	stream.linear.gather [hbm4b:s5+s2], $0x4, $0x38;
	[tilespmem:$0x17CB8] =	vst v63  }
0x31: {  	s16 =	simm.s32 $0x14300;
	s15 =	rddreg [dreg:$0x6]  }
0x32: {  	[tilespmem:s16], [sflag:$0x1] =	stream.linear.gather [hbm4b:s15+s2], $0x6, $0x38;
	[tilespmem:$0x17CB8] =	vst v63  }
0x33: {  	s11 =	simm.s32 @p1 $0x0;
	s12 =	simm.s32 @p1 $0x14310;
	s14 =	rddreg [dreg:$0xd]  }
0x34: {  	[tilespmem:s12], [sflag:$0x1] =	stream.linear.gather @p1 [hbm4b:s14+s11], $0x302, $0x38;
	[tilespmem:$0x17CB8] =	vst v63  }
0x35: {  	s12 =	simm.s32 @p1 $0x14678;
	s14 =	rddreg [dreg:$0xe]  }
0x36: {  	[tilespmem:s12], [sflag:$0x1] =	stream.linear.gather @p1 [hbm4b:s14+s11], $0x304, $0x38;
	[tilespmem:$0x17CB8] =	vst v63  }
0x37: {  	s12 =	simm.s32 @p1 $0x149E0;
	s14 =	rddreg [dreg:$0xf]  }
0x38: {  	[tilespmem:s12], [sflag:$0x1] =	stream.linear.gather @p1 [hbm4b:s14+s11], $0x306, $0x38;
	[tilespmem:$0x17CB8] =	vst v63  }
0x39: {  	s12 =	simm.s32 @p1 $0x14D48  }
0x3a: {  	[tilespmem:s12], [sflag:$0x1] =	stream.linear.gather @p1 [hbm4b:s18+s11], $0x308, $0x38;
	[tilespmem:$0x17CB8] =	vst v63  }
0x3b: {  	s12 =	simm.s32 @p1 $0x150B0  }
0x3c: {  	[tilespmem:s12], [sflag:$0x1] =	stream.linear.gather @p1 [hbm4b:s19+s11], $0x302, $0x38;
	[tilespmem:$0x17CB8] =	vst v63  }
0x3d: {  	s12 =	simm.s32 @p1 $0x15418  }
0x3e: {  	[tilespmem:s12], [sflag:$0x1] =	stream.linear.gather @p1 [hbm4b:s20+s11], $0x304, $0x38;
	[tilespmem:$0x17CB8] =	vst v63  }
0x3f: {  	s12 =	simm.s32 @p1 $0x15780  }
0x40: {  	[tilespmem:s12], [sflag:$0x1] =	stream.linear.gather @p1 [hbm4b:s21+s11], $0x306, $0x38;
	[tilespmem:$0x17CB8] =	vst v63  }
0x41: {  	s12 =	simm.s32 @p1 $0x15AE8  }
0x42: {  	[tilespmem:s12], [sflag:$0x1] =	stream.linear.gather @p1 [hbm4b:s22+s11], $0x308, $0x38;
	[tilespmem:$0x17CB8] =	vst v63  }
0x43: {  	s12 =	simm.s32 @p1 $0x15E50  }
0x44: {  	[tilespmem:s12], [sflag:$0x1] =	stream.linear.gather @p1 [hbm4b:s23+s11], $0x302, $0x38;
	[tilespmem:$0x17CB8] =	vst v63  }
0x45: {  	s12 =	simm.s32 @p1 $0x161B8  }
0x46: {  	[tilespmem:s12], [sflag:$0x1] =	stream.linear.gather @p1 [hbm4b:s24+s11], $0x302, $0x38;
	[tilespmem:$0x17CB8] =	vst v63  }
0x47: {  	s12 =	simm.s32 @p1 $0x16518  }
0x48: {  	[tilespmem:s12], [sflag:$0x1] =	stream.linear.gather @p1 [hbm4b:s25+s11], $0x302, $0x38;
	[tilespmem:$0x17CB8] =	vst v63  }
0x49: {  	s11 =	simm.s32 @p1 $0x1  }
0x4a: {  	_ =	swait.ge @p1 [sflag:s11], $0x302  }
0x4b: {  	[sflag:s11] =	ssyncset.done @p1 $0x0  }
0x4c: {  	[sflag:s11] =	ssyncadd.s32 @p1 $0xFFFFFCFE  }
0x4d: {  	_ =	swait.ge @p1 [sflag:s11], $0x304  }
0x4e: {  	[sflag:s11] =	ssyncset.done @p1 $0x0  }
0x4f: {  	[sflag:s11] =	ssyncadd.s32 @p1 $0xFFFFFCFC  }
0x50: {  	_ =	swait.ge @p1 [sflag:s11], $0x306  }
0x51: {  	[sflag:s11] =	ssyncset.done @p1 $0x0  }
0x52: {  	[sflag:s11] =	ssyncadd.s32 @p1 $0xFFFFFCFA  }
0x53: {  	_ =	swait.ge @p1 [sflag:s11], $0x308  }
0x54: {  	[sflag:s11] =	ssyncset.done @p1 $0x0  }
0x55: {  	[sflag:s11] =	ssyncadd.s32 @p1 $0xFFFFFCF8  }
0x56: {  	_ =	swait.ge @p1 [sflag:s11], $0x302  }
0x57: {  	[sflag:s11] =	ssyncset.done @p1 $0x0  }
0x58: {  	[sflag:s11] =	ssyncadd.s32 @p1 $0xFFFFFCFE  }
0x59: {  	_ =	swait.ge @p1 [sflag:s11], $0x304  }
0x5a: {  	[sflag:s11] =	ssyncset.done @p1 $0x0  }
0x5b: {  	[sflag:s11] =	ssyncadd.s32 @p1 $0xFFFFFCFC  }
0x5c: {  	_ =	swait.ge @p1 [sflag:s11], $0x306  }
0x5d: {  	[sflag:s11] =	ssyncset.done @p1 $0x0  }
0x5e: {  	[sflag:s11] =	ssyncadd.s32 @p1 $0xFFFFFCFA  }
0x5f: {  	_ =	swait.ge @p1 [sflag:s11], $0x308  }
0x60: {  	[sflag:s11] =	ssyncset.done @p1 $0x0  }
0x61: {  	[sflag:s11] =	ssyncadd.s32 @p1 $0xFFFFFCF8  }
0x62: {  	_ =	swait.ge @p1 [sflag:s11], $0x302  }
0x63: {  	[sflag:s11] =	ssyncset.done @p1 $0x0  }
0x64: {  	[sflag:s11] =	ssyncadd.s32 @p1 $0xFFFFFCFE  }
0x65: {  	_ =	swait.ge @p1 [sflag:s11], $0x302  }
0x66: {  	[sflag:s11] =	ssyncset.done @p1 $0x0  }
0x67: {  	[sflag:s11] =	ssyncadd.s32 @p1 $0xFFFFFCFE  }
0x68: {  	_ =	swait.ge @p1 [sflag:s11], $0x302  }
0x69: {  	[sflag:s11] =	ssyncset.done @p1 $0x0  }
0x6a: {  	s12 =	simm.s32 @!p1 $0x14310;
	[sflag:s11] =	ssyncadd.s32 @p1 $0xFFFFFCFE;
	s11 =	simm.s32 @!p1 $0x0  }
0x6b: {  	[tilespmem:s12], [sflag:$0x1] =	stream.linear.gather @!p1 [hbm4b:s7+s11], $0x360, $0x38;
	[tilespmem:$0x17CB8] =	vst v63  }
0x6c: {  	s12 =	simm.s32 @!p1 $0x14678  }
0x6d: {  	[tilespmem:s12], [sflag:$0x1] =	stream.linear.gather @!p1 [hbm4b:s31+s11], $0x362, $0x38;
	[tilespmem:$0x17CB8] =	vst v63  }
0x6e: {  	s12 =	simm.s32 @!p1 $0x149E0  }
0x6f: {  	[tilespmem:s12], [sflag:$0x1] =	stream.linear.gather @!p1 [hbm4b:s0+s11], $0x364, $0x38;
	[tilespmem:$0x17CB8] =	vst v63  }
0x70: {  	s12 =	simm.s32 @!p1 $0x14D48  }
0x71: {  	[tilespmem:s12], [sflag:$0x1] =	stream.linear.gather @!p1 [hbm4b:s3+s11], $0x366, $0x38;
	[tilespmem:$0x17CB8] =	vst v63  }
0x72: {  	s14 =	rddreg [dreg:$0x7];
	s12 =	simm.s32 @!p1 $0x150B0  }
0x73: {  	[tilespmem:s12], [sflag:$0x1] =	stream.linear.gather @!p1 [hbm4b:s14+s11], $0x360, $0x38;
	[tilespmem:$0x17CB8] =	vst v63  }
0x74: {  	s12 =	simm.s32 @!p1 $0x15418;
	s14 =	rddreg [dreg:$0x8]  }
0x75: {  	[tilespmem:s12], [sflag:$0x1] =	stream.linear.gather @!p1 [hbm4b:s14+s11], $0x362, $0x38;
	[tilespmem:$0x17CB8] =	vst v63  }
0x76: {  	s12 =	simm.s32 @!p1 $0x15780;
	s14 =	rddreg [dreg:$0x9]  }
0x77: {  	[tilespmem:s12], [sflag:$0x1] =	stream.linear.gather @!p1 [hbm4b:s14+s11], $0x364, $0x38;
	[tilespmem:$0x17CB8] =	vst v63  }
0x78: {  	s12 =	simm.s32 @!p1 $0x15AE8;
	s14 =	rddreg [dreg:$0xa]  }
0x79: {  	[tilespmem:s12], [sflag:$0x1] =	stream.linear.gather @!p1 [hbm4b:s14+s11], $0x366, $0x38;
	[tilespmem:$0x17CB8] =	vst v63  }
0x7a: {  	s12 =	simm.s32 @!p1 $0x15E50  }
0x7b: {  	[tilespmem:s12], [sflag:$0x1] =	stream.linear.gather @!p1 [hbm4b:s1+s11], $0x360, $0x38;
	[tilespmem:$0x17CB8] =	vst v63  }
0x7c: {  	s14 =	rddreg [dreg:$0xb];
	s12 =	simm.s32 @!p1 $0x161B8  }
0x7d: {  	[tilespmem:s12], [sflag:$0x1] =	stream.linear.gather @!p1 [hbm4b:s14+s11], $0x360, $0x38;
	[tilespmem:$0x17CB8] =	vst v63  }
0x7e: {  	s12 =	simm.s32 @!p1 $0x16518;
	s14 =	rddreg [dreg:$0xc]  }
0x7f: {  	[tilespmem:s12], [sflag:$0x1] =	stream.linear.gather @!p1 [hbm4b:s14+s11], $0x360, $0x38;
	[tilespmem:$0x17CB8] =	vst v63  }
0x80: {  	s11 =	simm.s32 @!p1 $0x1  }
0x81: {  	_ =	swait.ge @!p1 [sflag:s11], $0x360  }
0x82: {  	[sflag:s11] =	ssyncset.done @!p1 $0x0  }
0x83: {  	[sflag:s11] =	ssyncadd.s32 @!p1 $0xFFFFFCA0  }
0x84: {  	_ =	swait.ge @!p1 [sflag:s11], $0x362  }
0x85: {  	[sflag:s11] =	ssyncset.done @!p1 $0x0  }
0x86: {  	[sflag:s11] =	ssyncadd.s32 @!p1 $0xFFFFFC9E  }
0x87: {  	_ =	swait.ge @!p1 [sflag:s11], $0x364  }
0x88: {  	[sflag:s11] =	ssyncset.done @!p1 $0x0  }
0x89: {  	[sflag:s11] =	ssyncadd.s32 @!p1 $0xFFFFFC9C  }
0x8a: {  	_ =	swait.ge @!p1 [sflag:s11], $0x366  }
0x8b: {  	[sflag:s11] =	ssyncset.done @!p1 $0x0  }
0x8c: {  	[sflag:s11] =	ssyncadd.s32 @!p1 $0xFFFFFC9A  }
0x8d: {  	_ =	swait.ge @!p1 [sflag:s11], $0x360  }
0x8e: {  	[sflag:s11] =	ssyncset.done @!p1 $0x0  }
0x8f: {  	[sflag:s11] =	ssyncadd.s32 @!p1 $0xFFFFFCA0  }
0x90: {  	_ =	swait.ge @!p1 [sflag:s11], $0x362  }
0x91: {  	[sflag:s11] =	ssyncset.done @!p1 $0x0  }
0x92: {  	[sflag:s11] =	ssyncadd.s32 @!p1 $0xFFFFFC9E  }
0x93: {  	_ =	swait.ge @!p1 [sflag:s11], $0x364  }
0x94: {  	[sflag:s11] =	ssyncset.done @!p1 $0x0  }
0x95: {  	[sflag:s11] =	ssyncadd.s32 @!p1 $0xFFFFFC9C  }
0x96: {  	_ =	swait.ge @!p1 [sflag:s11], $0x366  }
0x97: {  	[sflag:s11] =	ssyncset.done @!p1 $0x0  }
0x98: {  	[sflag:s11] =	ssyncadd.s32 @!p1 $0xFFFFFC9A  }
0x99: {  	_ =	swait.ge @!p1 [sflag:s11], $0x360  }
0x9a: {  	[sflag:s11] =	ssyncset.done @!p1 $0x0  }
0x9b: {  	[sflag:s11] =	ssyncadd.s32 @!p1 $0xFFFFFCA0  }
0x9c: {  	_ =	swait.ge @!p1 [sflag:s11], $0x360  }
0x9d: {  	[sflag:s11] =	ssyncset.done @!p1 $0x0  }
0x9e: {  	[sflag:s11] =	ssyncadd.s32 @!p1 $0xFFFFFCA0  }
0x9f: {  	_ =	swait.ge @!p1 [sflag:s11], $0x360  }
0xa0: {  	[sflag:s11] =	ssyncset.done @!p1 $0x0  }
0xa1: {  	[sflag:s11] =	ssyncadd.s32 @!p1 $0xFFFFFCA0  }
0xa2: {  	_ =	swait.ge [sflag:s6], $0x2  }
0xa3: {  	[sflag:s6] =	ssyncset.done $0x0  }
0xa4: {  	[sflag:s6] =	ssyncadd.s32 $0xFFFFFFFE  }
0xa5: {  	_ =	swait.ge [sflag:s6], $0x4  }
0xa6: {  	[sflag:s6] =	ssyncset.done $0x0  }
0xa7: {  	[sflag:s6] =	ssyncadd.s32 $0xFFFFFFFC  }
0xa8: {  	_ =	swait.ge [sflag:s6], $0x6  }
0xa9: {  	[sflag:s6] =	ssyncset.done $0x0  }
0xaa: {  	[sflag:s6] =	ssyncadd.s32 $0xFFFFFFFA  }
0xab: {  	[bflag:$0x0] =	sbarrier.arrive $0xFFFF  }
0xac: {  	[tilespmem:s2], [sflag:$0x1] =	stream.linear.gather [spmem:s13], $0x6BA0, $0x38;
	[tilespmem:$0x17CB8] =	vst v63  }
0xad: {  	s13 =	simm.s32 $0x6BB0  }
0xae: {  	[tilespmem:s13], [sflag:$0x1] =	stream.linear.gather [spmem:s29], $0x6BA0, $0x38;
	[tilespmem:$0x17CB8] =	vst v63  }
0xaf: {  	s14 =	simm.s32 $0xD760  }
0xb0: {  	[tilespmem:s14], [sflag:$0x1] =	stream.linear.gather [spmem:s30], $0x6BA0, $0x38;
	[tilespmem:$0x17CB8] =	vst v63  }
0xb1: {  	_ =	swait.ge [sflag:s6], $0x6BA0  }
0xb2: {  	[sflag:s6] =	ssyncset.done $0x0  }
0xb3: {  	[sflag:s6] =	ssyncadd.s32 $0xFFFF9460  }
0xb4: {  	v14 =	vor.u32 s2, v0;
	_ =	swait.ge [sflag:s6], $0x6BA0  }
0xb5: {  	v14 =	vand.u32 v2, v14;
	[sflag:s6] =	ssyncset.done $0x0  }
0xb6: {  	[sflag:s6] =	ssyncadd.s32 $0xFFFF9460  }
0xb7: {  	v15 =	vadd.s32 s2, v3;
	_ =	swait.ge [sflag:s6], $0x6BA0  }
0xb8: {  	v15 =	vand.u32 $0x7F8, v15;
	[sflag:s6] =	ssyncset.done $0x0  }
0xb9: {  	v15 =	vor.u32 v4, v15;
	[sflag:s6] =	ssyncadd.s32 $0xFFFF9460  }
0xba: {  	v16 =	vadd.s32 s2, v5;
	v14 =	vld.idx.msk [tilespmem:v14+s8+$0x0], $0xffff  }
0xbb: {  	v17 =	vadd.s32 s2, v7;
	v16 =	vand.u32 $0xFF8, v16  }
0xbc: {  	v18 =	vadd.s32 s2, v12;
	v17 =	vand.u32 $0xFF8, v17;
	v16 =	vor.u32 v6, v16  }
0xbd: {  	v19 =	vadd.s32 s2, v9;
	v18 =	vand.u32 $0x1FF8, v18;
	v17 =	vor.u32 v8, v17  }
0xbe: {  	v36 =	vadd.s32 s2, v13;
	v19 =	vand.u32 $0x1FF8, v19;
	v18 =	vor.u32 v8, v18;
	v15 =	vld.idx.msk [tilespmem:v15+s8+$0x0], $0xffff  }
0xbf: {  	v36 =	vand.u32 $0x1FF8, v36;
	v19 =	vor.u32 v1, v19;
	vm0 =	vgt.s32 v14, $0x0  }
0xc0: {  	v36 =	vor.u32 v1, v36;
	v14 =	vnsel vm0, $0x0, v14  }
0xc1: {  	v16 =	vld.idx.msk [tilespmem:v16+s8+$0x0], $0xffff;
	v14 =	vmin.u32 v14, $0x6BA1  }
0xc2: {  	v17 =	vld.idx.msk [tilespmem:v17+s8+$0x0], $0xffff  }
0xc3: {  	v18 =	vld.idx.msk [tilespmem:v18+s8+$0x0], $0xffff;
	vm0 =	vgt.s32 v15, $0x0;
	v20 =	vadd.s32 $0x6BB2, v14  }
0xc4: {  	v19 =	vld.idx.msk [tilespmem:v19+s8+$0x0], $0xffff;
	v15 =	vnsel vm0, $0x0, v15;
	v21 =	vadd.s32 $0xD764, v14  }
0xc5: {  	v36 =	vld.idx.msk [tilespmem:v36+s8+$0x0], $0xffff;
	v15 =	vmin.u32 v15, $0x6BA1  }
0xc6: {  	v23 =	vadd.s32 s2, v10;
	s11 =	simm.s32 $0x161B8;
	v22 =	vadd.s32 $0xD764, v15;
	v25 =	vld.idx.msk [tilespmem:v14+s2+$0x0], $0xffff  }
0xc7: {  	vm0 =	vgt.s32 v16, $0x0;
	v24 =	vadd.s32 $0x6BB2, v15;
	v14 =	vand.u32 $0x17F8, v23;
	v23 =	vld [tilespmem:s11+$0x0]  }
0xc8: {  	v26 =	vor.u32 v4, v14;
	v14 =	vnsel vm0, $0x0, v16;
	v20 =	vld.idx.msk [tilespmem:v20+s2+$0x0], $0xffff  }
0xc9: {  	s15 =	sadd.s32 $0x0, s17;
	v16 =	vadd.s32 s2, v11;
	v21 =	vld.idx.msk [tilespmem:v21+s2+$0x0], $0xffff;
	v27 =	vmin.u32 v14, $0x6BA1  }
0xca: {  	v30 =	vor.u32 s15, v0;
	v32 =	vld.idx.msk [tilespmem:v15+s2+$0x0], $0xffff;
	v16 =	vand.u32 $0x1FF8, v16;
	v28 =	vadd.s32 $0x6BB2, v27  }
0xcb: {  	vm1 =	vgt.s32 v19, $0x0;
	vm0 =	vgt.s32 v17, $0x0;
	v22 =	vld.idx.msk [tilespmem:v22+s2+$0x0], $0xffff;
	v29 =	vor.u32 v6, v16  }
0xcc: {  	v17 =	vnsel vm0, $0x0, v17;
	v24 =	vld.idx.msk [tilespmem:v24+s2+$0x0], $0xffff;
	vm0 =	vlt.s32 v30, $0x6BA1;
	v31 =	vadd.s32 $0xD764, v27  }
0xcd: {  	v17 =	vmin.u32 v17, $0x6BA1;
	v33 =	vnsel vm0, $0x6BA1, v30;
	v16 =	vnsel vm1, $0x0, v19;
	v26 =	vld.idx.msk [tilespmem:v26+s8+$0x0], $0xffff  }
0xce: {  	s13 =	simm.s32 $0x10;
	vm0 =	vgt.s32 v18, $0x0;
	v15 =	vadd.s32 $0x6BB2, v17;
	v35 =	vmin.u32 v16, $0x6BA1;
	v19 =	vld.idx.msk [tilespmem:v27+s2+$0x0], $0xffff  }
0xcf: {  	v51 =	vor.u32 s13, v0;
	v18 =	vnsel vm0, $0x0, v18;
	v38 =	vadd.s32 $0xD764, v35;
	v28 =	vld.idx.msk [tilespmem:v28+s2+$0x0], $0xffff  }
0xd0: {  	v52 =	vadd.s32 s13, v3;
	v43 =	vadd.s32 s13, v5;
	v18 =	vmin.u32 v18, $0x6BA1;
	v29 =	vld.idx.msk [tilespmem:v29+s8+$0x0], $0xffff  }
0xd1: {  	v60 =	vadd.s32 s13, v9;
	v61 =	vadd.s32 s13, v10;
	v27 =	vadd.s32 $0xD764, v17;
	v31 =	vld.idx.msk [tilespmem:v31+s2+$0x0], $0xffff  }
0xd2: {  	v14 =	vimm.f32 $0.0e+00;
	v25 =	vadd.f32 $0.0e+00, v25;
	v21 =	vadd.f32 $0.0e+00, v21;
	v40 =	vld.idx.msk [tilespmem:v17+s2+$0x0], $0xffff  }
0xd3: {  	v37 =	vadd.s32 $0x6BB2, v35;
	v39 =	vld.idx.msk [tilespmem:v15+s2+$0x0], $0xffff;
	v15 =	vadd.f32 $0.0e+00, v20;
	vm0 =	vgt.s32 v26, $0x0  }
0xd4: {  	v21 =	vadd.f32 v22, v21;
	v22 =	vadd.s32 $0x6BB2, v18;
	v38 =	vld.idx.msk [tilespmem:v38+s2+$0x0], $0xffff;
	v26 =	vnsel vm0, $0x0, v26  }
0xd5: {  	v34 =	vadd.s32 $0x6BB2, v33;
	v50 =	vld.idx.msk [tilespmem:v18+s2+$0x0], $0xffff;
	v24 =	vadd.f32 v24, v15;
	v26 =	vmin.u32 v26, $0x6BA1  }
0xd6: {  	v25 =	vadd.f32 v32, v25;
	v20 =	vld.idx.msk [tilespmem:v27+s2+$0x0], $0xffff;
	vm0 =	vgt.s32 v29, $0x0;
	v41 =	vadd.s32 $0xD764, v26  }
0xd7: {  	s16 =	sadd.s32 $0x10, s17;
	v27 =	vld.idx.msk [tilespmem:v35+s2+$0x0], $0xffff;
	v24 =	vadd.f32 v28, v24;
	v49 =	vadd.s32 $0x6BB2, v26;
	v17 =	vnsel vm0, $0x0, v29  }
0xd8: {  	v15 =	vor.u32 s16, v0;
	v25 =	vadd.f32 v19, v25;
	v28 =	vld.idx.msk [tilespmem:v37+s2+$0x0], $0xffff;
	v29 =	vmin.u32 v17, $0x6BA1  }
0xd9: {  	v21 =	vadd.f32 v31, v21;
	v22 =	vld.idx.msk [tilespmem:v22+s2+$0x0], $0xffff;
	v24 =	vadd.f32 v39, v24;
	v39 =	vand.u32 v2, v51  }
0xda: {  	v25 =	vadd.f32 v40, v25;
	v40 =	vand.u32 $0x7F8, v52;
	v31 =	vadd.s32 $0x6BB2, v29;
	v26 =	vld.idx.msk [tilespmem:v26+s2+$0x0], $0xffff  }
0xdb: {  	vm0 =	vlt.s32 v15, $0x6BA1;
	v53 =	vor.u32 v4, v40;
	v20 =	vadd.f32 v20, v21;
	v21 =	vld.idx.msk [tilespmem:v41+s2+$0x0], $0xffff  }
0xdc: {  	v48 =	vadd.s32 $0xD764, v18;
	v17 =	vnsel vm0, $0x6BA1, v15;
	v42 =	vadd.s32 $0xD764, v29;
	v32 =	vld.idx.msk [tilespmem:v49+s2+$0x0], $0xffff  }
0xdd: {  	vm0 =	vgt.s32 v36, $0x0;
	v24 =	vadd.f32 v28, v24;
	v28 =	vand.u32 $0xFF8, v43;
	v29 =	vld.idx.msk [tilespmem:v29+s2+$0x0], $0xffff  }
0xde: {  	v16 =	vadd.s32 $0xD764, v33;
	v36 =	vnsel vm0, $0x0, v36;
	v58 =	vor.u32 v6, v28;
	v57 =	vld.idx.msk [tilespmem:v39+s8+$0x0], $0xffff  }
0xdf: {  	(erf) = vrcp.f32 v23;
	v25 =	vadd.f32 v27, v25;
	v27 =	vld.idx.msk [tilespmem:v31+s2+$0x0], $0xffff;
	v31 =	vmin.u32 v36, $0x6BA1  }
0xe0: {  	v23 =	vadd.s32 s13, v7;
	vm0 =	vlt.u32 v30, $0x6BA2;
	v30 =	vld.idx.msk [tilespmem:v53+s8+$0x0], $0xffff;
	v55 =	vadd.s32 $0x6BB2, v31  }
0xe1: {  	v23 =	vand.u32 $0xFF8, v23;
	v20 =	vadd.f32 v38, v20;
	v54 =	vld.idx.msk [tilespmem:v42+s2+$0x0], $0xffff;
	v25 =	vadd.f32 v26, v25  }
0xe2: {  	v23 =	vor.u32 v8, v23;
	v56 =	vadd.s32 $0xD764, v31;
	v26 =	vld.idx.msk [tilespmem:v48+s2+$0x0], $0xffff;
	v24 =	vadd.f32 v32, v24  }
0xe3: {  	v28 =	vadd.s32 s13, v12;
	v21 =	vadd.f32 v21, v20;
	v20 =	vadd.f32 v29, v25;
	v29 =	vld.idx.msk [tilespmem:v58+s8+$0x0], $0xffff  }
0xe4: {  	v18 =	vadd.s32 $0x6BB2, v17;
	v25 =	vld.idx.msk [tilespmem:v31+s2+$0x0], $0xffff;
	v24 =	vadd.f32 v27, v24;
	v27 =	vand.u32 $0x1FF8, v28  }
0xe5: {  	v19 =	vadd.s32 $0xD764, v17;
	v36 =	vand.u32 $0x17F8, v61;
	v59 =	vld.idx.msk [tilespmem:v55+s2+$0x0], $0xffff;
	v27 =	vor.u32 v8, v27  }
0xe6: {  	v32 =	vand.u32 $0x1FF8, v60;
	vm1 =	vgt.s32 v57, $0x0;
	v31 =	vadd.f32 v50, v20;
	v20 =	vld.idx.msk [tilespmem:v33+s2+$0x0], $0xffff  }
0xe7: {  	v28 =	vadd.s32 s13, v11;
	v63 =	vnsel vm1, $0x0, v57;
	v62 =	vadd.f32 v22, v24;
	v22 =	vld.idx.msk [tilespmem:v56+s2+$0x0], $0xffff  }
0xe8: {  	v33 =	vor.u32 v1, v32;
	v35 =	vmin.u32 v63, $0x6BA1;
	v24 =	vadd.f32 v54, v21;
	v21 =	vld.idx.msk [tilespmem:v34+s2+$0x0], $0xffff  }
0xe9: {  	vm1 =	vgt.s32 v30, $0x0;
	v34 =	vadd.s32 $0x6BB2, v35;
	v25 =	vadd.f32 v25, v31;
	v31 =	vld.idx.msk [tilespmem:v23+s8+$0x0], $0xffff  }
0xea: {  	s12 =	simm.s32 $0x16518;
	s14 =	simm.s32 $0x20;
	v32 =	vadd.s32 $0xD764, v35;
	v24 =	vadd.f32 v26, v24;
	v23 =	vpop (erf);
	v27 =	vld.idx.msk [tilespmem:v27+s8+$0x0], $0xffff;
	v26 =	vadd.f32 v59, v62  }
.LBB2_2:
0xeb: {  	s11 =	sadd.s32 $0x10, s11  }
0xec: {  	v30 =	vnsel vm1, $0x0, v30;
	v36 =	vor.u32 v4, v36;
	v25 =	vmul.f32 v23, v25;
	v37 =	vld [tilespmem:s12+$0x0];
	s12 =	sadd.s32 $0x10, s12;
	s15 =	smov.u32 s14;
	s16 =	sadd.s32 $0x10, s14  }
0xed: {  	p2 =	sne.s32 s14, $0x350;
	vm1 =	vgt.s32 v29, $0x0;
	v30 =	vmin.u32 v30, $0x6BA1;
	v33 =	vld.idx.msk [tilespmem:v33+s8+$0x0], $0xffff;
	v26 =	vmul.f32 v23, v26  }
0xee: {  	v22 =	vadd.f32 v22, v24;
	v38 =	vadd.s32 $0x6BB2, v30;
	v39 =	vadd.s32 $0xD764, v30;
	v40 =	vld.idx.msk [tilespmem:v16+s2+$0x0], $0xffff;
	v16 =	vmovc v19  }
0xef: {  	v28 =	vand.u32 $0x1FF8, v28;
	v24 =	vnsel vm1, $0x0, v29;
	v19 =	vld.idx.msk [tilespmem:v35+s2+$0x0], $0xffff;
	v26 =	vsub.f32 v21, v26  }
0xf0: {  	v24 =	vmin.u32 v24, $0x6BA1;
	v20 =	vsub.f32 v20, v25;
	vm1 =	vgt.s32 v31, $0x0;
	v21 =	vld [tilespmem:s11+$0x0]  }
0xf1: {  	v29 =	vadd.s32 $0x6BB2, v24;
	v22 =	vmul.f32 v23, v22;
	v25 =	vld.idx.msk [tilespmem:v34+s2+$0x0], $0xffff;
	v34 =	vadd.s32 $0xD764, v24  }
0xf2: {  	v28 =	vor.u32 v6, v28;
	v31 =	vnsel vm1, $0x0, v31;
	v20 =	vmul.f32 v20, v20;
	v23 =	vld.idx.msk [tilespmem:v32+s2+$0x0], $0xffff  }
0xf3: {  	v31 =	vmin.u32 v31, $0x6BA1;
	v26 =	vmul.f32 v26, v26;
	vm1 =	vgt.s32 v33, $0x0;
	v32 =	vld.idx.msk [tilespmem:v39+s2+$0x0], $0xffff  }
0xf4: {  	v33 =	vnsel vm1, $0x0, v33;
	vm1 =	vgt.s32 v27, $0x0;
	v35 =	vld.idx.msk [tilespmem:v38+s2+$0x0], $0xffff;
	v38 =	vadd.s32 $0x6BB2, v31  }
0xf5: {  	v22 =	vsub.f32 v40, v22;
	v19 =	vadd.f32 $0.0e+00, v19;
	v33 =	vmin.u32 v33, $0x6BA1;
	v30 =	vld.idx.msk [tilespmem:v30+s2+$0x0], $0xffff  }
0xf6: {  	v20 =	vadd.f32 v26, v20;
	v39 =	vadd.s32 $0x6BB2, v33;
	v40 =	vadd.s32 $0xD764, v33;
	v36 =	vld.idx.msk [tilespmem:v36+s8+$0x0], $0xffff  }
0xf7: {  	v26 =	vadd.s32 $0xD764, v31;
	v22 =	vmul.f32 v22, v22;
	v25 =	vadd.f32 $0.0e+00, v25;
	v24 =	vld.idx.msk [tilespmem:v24+s2+$0x0], $0xffff  }
0xf8: {  	v41 =	vadd.s32 s13, v13;
	s13 =	smov.u32 s15;
	v27 =	vnsel vm1, $0x0, v27;
	v23 =	vadd.f32 $0.0e+00, v23;
	v29 =	vld.idx.msk [tilespmem:v29+s2+$0x0], $0xffff  }
0xf9: {  	v41 =	vand.u32 $0x1FF8, v41;
	v27 =	vmin.u32 v27, $0x6BA1;
	v20 =	vadd.f32 v20, v22;
	v28 =	vld.idx.msk [tilespmem:v28+s8+$0x0], $0xffff  }
0xfa: {  	v22 =	vadd.f32 v32, v23;
	v32 =	vadd.s32 $0x6BB2, v27;
	v23 =	vld.idx.msk [tilespmem:v34+s2+$0x0], $0xffff;
	v34 =	vor.u32 v1, v41  }
0xfb: {  	s14 =	sadd.s32 s13, s17;
	v25 =	vadd.f32 v35, v25;
	v20 =	vmul.f32 v20, v37;
	v35 =	vld.idx.msk [tilespmem:v38+s2+$0x0], $0xffff;
	v38 =	vadd.s32 $0xD764, v27  }
0xfc: {  	v37 =	vor.u32 s14, v0;
	v19 =	vadd.f32 v30, v19;
	vm1 =	vgt.s32 v36, $0x0;
	v26 =	vld.idx.msk [tilespmem:v26+s2+$0x0], $0xffff  }
0xfd: {  	vm2 =	vlt.s32 v37, $0x6BA1;
	v20 =	vnsel vm0, $0x0, v20;
	v30 =	vld.idx.msk [tilespmem:v33+s2+$0x0], $0xffff;
	v33 =	vnsel vm1, $0x0, v36  }
0xfe: {  	v14 =	vadd.f32 v20, v14;
	v25 =	vadd.f32 v29, v25;
	v29 =	vld.idx.msk [tilespmem:v31+s2+$0x0], $0xffff;
	v31 =	vmin.u32 v33, $0x6BA1  }
0xff: {  	vm0 =	vgt.s32 v28, $0x0;
	v20 =	vadd.s32 $0x6BB2, v31;
	v33 =	vadd.s32 $0xD764, v31;
	v34 =	vld.idx.msk [tilespmem:v34+s8+$0x0], $0xffff  }
0x100: {  	v24 =	vadd.f32 v24, v19;
	v36 =	vnsel vm2, $0x6BA1, v37;
	v19 =	vnsel vm0, $0x0, v28;
	v40 =	vld.idx.msk [tilespmem:v40+s2+$0x0], $0xffff  }
0x101: {  	v41 =	vadd.s32 $0x6BB2, v36;
	v22 =	vadd.f32 v23, v22;
	v28 =	vmin.u32 v19, $0x6BA1;
	v23 =	vld.idx.msk [tilespmem:v39+s2+$0x0], $0xffff  }
0x102: {  	v25 =	vadd.f32 v35, v25;
	v35 =	vadd.s32 $0x6BB2, v28;
	v39 =	vadd.s32 $0xD764, v28;
	v27 =	vld.idx.msk [tilespmem:v27+s2+$0x0], $0xffff  }
0x103: {  	v19 =	vadd.s32 $0xD764, v36;
	v22 =	vadd.f32 v26, v22;
	v26 =	vld.idx.msk [tilespmem:v31+s2+$0x0], $0xffff  }
0x104: {  	v24 =	vadd.f32 v29, v24;
	v29 =	vld.idx.msk [tilespmem:v33+s2+$0x0], $0xffff  }
0x105: {  	v31 =	vor.u32 s13, v0;
	vm0 =	vgt.s32 v34, $0x0;
	v20 =	vld.idx.msk [tilespmem:v20+s2+$0x0], $0xffff  }
0x106: {  	v31 =	vand.u32 v2, v31;
	v33 =	vadd.s32 s13, v3;
	v34 =	vnsel vm0, $0x0, v34;
	v28 =	vld.idx.msk [tilespmem:v28+s2+$0x0], $0xffff  }
0x107: {  	v33 =	vand.u32 $0x7F8, v33;
	v24 =	vadd.f32 v30, v24;
	v30 =	vmin.u32 v34, $0x6BA1;
	v35 =	vld.idx.msk [tilespmem:v35+s2+$0x0], $0xffff  }
0x108: {  	v33 =	vor.u32 v4, v33;
	v42 =	vadd.s32 $0xD764, v30;
	v34 =	vld.idx.msk [tilespmem:v39+s2+$0x0], $0xffff;
	v39 =	vadd.s32 $0x6BB2, v30  }
0x109: {  	v43 =	vadd.s32 s13, v5;
	v23 =	vadd.f32 v23, v25;
	v24 =	vadd.f32 v26, v24;
	v26 =	vld.idx.msk [tilespmem:v38+s2+$0x0], $0xffff  }
0x10a: {  	v22 =	vadd.f32 v40, v22;
	vm0 =	vlt.u32 v15, $0x6BA2;
	v15 =	vmovc v37;
	v25 =	vand.u32 $0xFF8, v43;
	v32 =	vld.idx.msk [tilespmem:v32+s2+$0x0], $0xffff  }
0x10b: {  	v25 =	vor.u32 v6, v25;
	v20 =	vadd.f32 v20, v23;
	v31 =	vld.idx.msk [tilespmem:v31+s8+$0x0], $0xffff;
	(erf) = vrcp.f32 v21  }
0x10c: {  	v22 =	vadd.f32 v29, v22;
	v21 =	vadd.s32 s13, v7;
	v23 =	vadd.f32 v28, v24;
	v24 =	vld.idx.msk [tilespmem:v30+s2+$0x0], $0xffff  }
0x10d: {  	v28 =	vadd.s32 s13, v12;
	v21 =	vand.u32 $0xFF8, v21;
	v30 =	vld.idx.msk [tilespmem:v33+s8+$0x0], $0xffff;
	v33 =	vadd.f32 v35, v20  }
0x10e: {  	v37 =	vor.u32 v8, v21;
	v20 =	vand.u32 $0x1FF8, v28;
	v23 =	vadd.f32 v27, v23;
	v38 =	vld.idx.msk [tilespmem:v39+s2+$0x0], $0xffff  }
0x10f: {  	v21 =	vadd.s32 s13, v9;
	v28 =	vadd.s32 s13, v11;
	v27 =	vor.u32 v8, v20;
	v20 =	vld.idx.msk [tilespmem:v17+s2+$0x0], $0xffff;
	v17 =	vmovc v36  }
.Ltmp0:
0x110: {  	v21 =	vand.u32 $0x1FF8, v21;
	v39 =	vadd.f32 v32, v33;
	v29 =	vld.idx.msk [tilespmem:v25+s8+$0x0], $0xffff;
	v25 =	vadd.s32 s13, v10;
	(pc) =	sbr.rel @p2 .LBB2_2-.Ltmp0, $4  }
0x111: {  	v33 =	vor.u32 v1, v21;
	v32 =	vadd.f32 v34, v22;
	vm1 =	vgt.s32 v31, $0x0;
	v22 =	vld.idx.msk [tilespmem:v42+s2+$0x0], $0xffff  }
0x112: {  	v31 =	vnsel vm1, $0x0, v31;
	v36 =	vand.u32 $0x17F8, v25;
	v25 =	vadd.f32 v24, v23;
	v21 =	vld.idx.msk [tilespmem:v18+s2+$0x0], $0xffff;
	v18 =	vmovc v41  }
0x113: {  	v24 =	vadd.f32 v26, v32;
	v35 =	vmin.u32 v31, $0x6BA1;
	vm1 =	vgt.s32 v30, $0x0;
	v31 =	vld.idx.msk [tilespmem:v37+s8+$0x0], $0xffff  }
0x114: {  	s14 =	smov.u32 s16;
	v34 =	vadd.s32 $0x6BB2, v35;
	v32 =	vadd.s32 $0xD764, v35;
	v26 =	vadd.f32 v38, v39;
	v27 =	vld.idx.msk [tilespmem:v27+s8+$0x0], $0xffff;
	v23 =	vpop (erf)  }
0x115: {  	_ =	sdelay $0x3  }
0x116: {  	v30 =	vnsel vm1, $0x0, v30;
	v33 =	vld.idx.msk [tilespmem:v33+s8+$0x0], $0xffff;
	v36 =	vor.u32 v4, v36  }
0x117: {  	v35 =	vld.idx.msk [tilespmem:v35+s2+$0x0], $0xffff;
	v28 =	vand.u32 $0x1FF8, v28;
	v30 =	vmin.u32 v30, $0x6BA1  }
0x118: {  	v34 =	vld.idx.msk [tilespmem:v34+s2+$0x0], $0xffff;
	v28 =	vor.u32 v6, v28  }
0x119: {  	s11 =	sadd.s32 $0x10, s11;
	vm8 =	vgt.s32 v29, $0x0;
	v32 =	vld.idx.msk [tilespmem:v32+s2+$0x0], $0xffff;
	v37 =	vadd.s32 $0xD764, v30  }
0x11a: {  	v44 =	vadd.s32 s13, v13;
	v39 =	vld [tilespmem:s11+$0x0];
	v29 =	vnsel vm8, $0x0, v29;
	v38 =	vadd.s32 $0x6BB2, v30  }
0x11b: {  	v44 =	vand.u32 $0x1FF8, v44;
	v29 =	vmin.u32 v29, $0x6BA1;
	v36 =	vld.idx.msk [tilespmem:v36+s8+$0x0], $0xffff  }
0x11c: {  	v44 =	vor.u32 v1, v44;
	v30 =	vld.idx.msk [tilespmem:v30+s2+$0x0], $0xffff  }
0x11d: {  	vm9 =	vgt.s32 v31, $0x0;
	v40 =	vadd.s32 $0x6BB2, v29;
	v28 =	vld.idx.msk [tilespmem:v28+s8+$0x0], $0xffff  }
0x11e: {  	v41 =	vadd.s32 $0xD764, v29;
	v31 =	vnsel vm9, $0x0, v31;
	v37 =	vld.idx.msk [tilespmem:v37+s2+$0x0], $0xffff  }
0x11f: {  	v31 =	vmin.u32 v31, $0x6BA1;
	v38 =	vld.idx.msk [tilespmem:v38+s2+$0x0], $0xffff  }
0x120: {  	vm11 =	vgt.s32 v27, $0x0;
	v42 =	vadd.s32 $0x6BB2, v31;
	v29 =	vld.idx.msk [tilespmem:v29+s2+$0x0], $0xffff  }
0x121: {  	vm10 =	vgt.s32 v33, $0x0;
	v27 =	vnsel vm11, $0x0, v27;
	v43 =	vadd.s32 $0xD764, v31;
	v44 =	vld.idx.msk [tilespmem:v44+s8+$0x0], $0xffff  }
0x122: {  	v33 =	vnsel vm10, $0x0, v33;
	v27 =	vmin.u32 v27, $0x6BA1;
	v40 =	vld.idx.msk [tilespmem:v40+s2+$0x0], $0xffff  }
0x123: {  	v33 =	vmin.u32 v33, $0x6BA1;
	v41 =	vld.idx.msk [tilespmem:v41+s2+$0x0], $0xffff  }
0x124: {  	v45 =	vadd.s32 $0xD764, v33;
	v31 =	vld.idx.msk [tilespmem:v31+s2+$0x0], $0xffff  }
0x125: {  	v46 =	vadd.s32 $0x6BB2, v33;
	vm12 =	vgt.s32 v36, $0x0;
	v42 =	vld.idx.msk [tilespmem:v42+s2+$0x0], $0xffff  }
0x126: {  	v61 =	vadd.s32 $0xD764, v27;
	v43 =	vld.idx.msk [tilespmem:v43+s2+$0x0], $0xffff;
	v36 =	vnsel vm12, $0x0, v36  }
0x127: {  	v35 =	vadd.f32 $0.0e+00, v35;
	v49 =	vld.idx.msk [tilespmem:v27+s2+$0x0], $0xffff;
	v36 =	vmin.u32 v36, $0x6BA1  }
0x128: {  	v34 =	vadd.f32 $0.0e+00, v34;
	vm13 =	vgt.s32 v28, $0x0;
	v33 =	vld.idx.msk [tilespmem:v33+s2+$0x0], $0xffff;
	v47 =	vadd.s32 $0xD764, v36  }
0x129: {  	v30 =	vadd.f32 v30, v35;
	v28 =	vnsel vm13, $0x0, v28;
	v48 =	vadd.s32 $0x6BB2, v36;
	v45 =	vld.idx.msk [tilespmem:v45+s2+$0x0], $0xffff  }
0x12a: {  	v32 =	vadd.f32 $0.0e+00, v32;
	v46 =	vld.idx.msk [tilespmem:v46+s2+$0x0], $0xffff;
	v28 =	vmin.u32 v28, $0x6BA1  }
0x12b: {  	v34 =	vadd.f32 v38, v34;
	v29 =	vadd.f32 v29, v30;
	v30 =	vld.idx.msk [tilespmem:v61+s2+$0x0], $0xffff;
	v59 =	vadd.s32 $0x6BB2, v28  }
0x12c: {  	v32 =	vadd.f32 v37, v32;
	vm14 =	vgt.s32 v44, $0x0;
	v60 =	vadd.s32 $0xD764, v28;
	v36 =	vld.idx.msk [tilespmem:v36+s2+$0x0], $0xffff  }
0x12d: {  	v27 =	vadd.s32 $0x6BB2, v27;
	v63 =	vnsel vm14, $0x0, v44;
	v34 =	vadd.f32 v40, v34;
	v62 =	vld.idx.msk [tilespmem:v47+s2+$0x0], $0xffff  }
0x12e: {  	v32 =	vadd.f32 v41, v32;
	v50 =	vmin.u32 v63, $0x6BA1;
	v48 =	vld.idx.msk [tilespmem:v48+s2+$0x0], $0xffff  }
0x12f: {  	v29 =	vadd.f32 v31, v29;
	v40 =	vadd.s32 $0x6BB2, v50;
	v34 =	vadd.f32 v42, v34;
	v28 =	vld.idx.msk [tilespmem:v28+s2+$0x0], $0xffff  }
0x130: {  	(erf) = vrcp.f32 v39;
	v32 =	vadd.f32 v43, v32;
	v35 =	vld.idx.msk [tilespmem:v59+s2+$0x0], $0xffff  }
0x131: {  	v52 =	vadd.s32 $0xD764, v50;
	v29 =	vadd.f32 v33, v29;
	v34 =	vadd.f32 v46, v34;
	v51 =	vld.idx.msk [tilespmem:v60+s2+$0x0], $0xffff  }
0x132: {  	v27 =	vld.idx.msk [tilespmem:v27+s2+$0x0], $0xffff;
	v32 =	vadd.f32 v45, v32  }
0x133: {  	v31 =	vld.idx.msk [tilespmem:v50+s2+$0x0], $0xffff;
	v29 =	vadd.f32 v36, v29;
	v34 =	vadd.f32 v48, v34  }
0x134: {  	v53 =	vld.idx.msk [tilespmem:v40+s2+$0x0], $0xffff;
	v32 =	vadd.f32 v62, v32  }
0x135: {  	v16 =	vld.idx.msk [tilespmem:v16+s2+$0x0], $0xffff;
	v28 =	vadd.f32 v28, v29;
	v34 =	vadd.f32 v35, v34  }
0x136: {  	v54 =	vld.idx.msk [tilespmem:v52+s2+$0x0], $0xffff;
	v32 =	vadd.f32 v51, v32  }
0x137: {  	v25 =	vmul.f32 v23, v25;
	v17 =	vld.idx.msk [tilespmem:v17+s2+$0x0], $0xffff;
	v28 =	vadd.f32 v49, v28;
	v27 =	vadd.f32 v27, v34  }
0x138: {  	v18 =	vld.idx.msk [tilespmem:v18+s2+$0x0], $0xffff;
	v26 =	vmul.f32 v23, v26;
	v22 =	vadd.f32 v22, v24;
	v56 =	vadd.f32 v30, v32  }
0x139: {  	v55 =	vadd.f32 v31, v28;
	v27 =	vadd.f32 v53, v27  }
0x13a: {  	v19 =	vld.idx.msk [tilespmem:v19+s2+$0x0], $0xffff;
	v20 =	vsub.f32 v20, v25;
	v21 =	vsub.f32 v21, v26;
	v22 =	vmul.f32 v23, v22;
	v57 =	vpop (erf)  }
0x13b: {  	v59 =	vadd.f32 v54, v56;
	v24 =	vmul.f32 v57, v55;
	v58 =	vmul.f32 v57, v27  }
0x13c: {  	v20 =	vmul.f32 v20, v20;
	v21 =	vmul.f32 v21, v21;
	v16 =	vsub.f32 v16, v22  }
0x13d: {  	v60 =	vmul.f32 v57, v59;
	v17 =	vsub.f32 v17, v24;
	v18 =	vsub.f32 v18, v58  }
0x13e: {  	v20 =	vadd.f32 v21, v20;
	v16 =	vmul.f32 v16, v16;
	v61 =	vld [tilespmem:s12+$0x0]  }
0x13f: {  	s15 =	sadd.s32 $0x10, s12;
	v19 =	vsub.f32 v19, v60;
	v17 =	vmul.f32 v17, v17;
	v18 =	vmul.f32 v18, v18  }
0x140: {  	v62 =	vld [tilespmem:s15+$0x0]  }
0x141: {  	v16 =	vadd.f32 v20, v16;
	v63 =	vmul.f32 v19, v19;
	v17 =	vadd.f32 v18, v17;
	_ =	sdelay $0x1  }
0x142: {  	v16 =	vmul.f32 v16, v61;
	v17 =	vadd.f32 v17, v63;
	_ =	sdelay $0x1  }
0x143: {  	v16 =	vnsel vm0, $0x0, v16;
	v17 =	vmul.f32 v17, v62  }
0x144: {  	vm15 =	vlt.u32 v15, $0x6BA2;
	v14 =	vadd.f32 v16, v14  }
0x145: {  	v15 =	vnsel vm15, $0x0, v17  }
0x146: {  	s10 =	sadd.s32 $0x1, s10;
	v14 =	vadd.f32 v15, v14  }
0x147: {  	p2 =	sne.s32 s10, s28  }
.Ltmp1:
0x148: {  	s16 =	simm.s32 $0x16878;
	[tilespmem:$0x16878] =	vst v14;
	(pc) =	sbr.rel @p2 .LBB2_1-.Ltmp1, $4  }
0x149: {  	[hbm4b:s26+s2] =	stream.linear.scatter [tilespmem:s16], [sflag:$0x2], $0x10, $0x38;
	[tilespmem:$0x17CB8] =	vst v63  }
0x14a: {  	_ =	swait.ge [sflag:s9], $0x10  }
0x14b: {  	[sflag:s9] =	ssyncset.done $0x0  }
0x14c: {  	[sflag:s9] =	ssyncadd.s32 $0xFFFFFFF0  }
0x14d: {  	_ =	sfence.sel $0x180000  }
0x14e: {  	[bflag:$0x0] =	sbarrier.arrive $0xFFFF  }
0x14f: {  	_ =	strace $0x90000047  }
0x150: {  	[bflag:$0x2] =	sbarrier.arrive $0xFFFF  }
0x151: {  	s0 =	rddreg [dreg:$0x4]  }
0x152: {  	s0 =	sadd.s32 @!p0 $0x100000, s0  }
0x153: {  	[sflag:s0] =	ssyncadd.tile.s32 @!p0 $0x1;
	_ =	shalt  }
.Lfunc_end2:
_tile_overlayer_lowered:
.L_overlay_start_2:
0x154: {  	(tag) =	ssettag $0x2  }
0x155: {  	s0 =	rddreg [dreg:$0x0];
	s2 =	stileid.u32  }
0x156: {  	s1 =	rddreg [dreg:$0x1];
	p0 =	sne.s32 s2, $0x0  }
0x157: {  	s3 =	rddreg [dreg:$0x2];
	[bflag:$0x3] =	sbarrier.arrive $0xFFFF;
	s2 =	simm.s32 @!p0 $0x1C02  }
0x158: {  	[timem:s3], [sflag:s2] =	dma.local @!p0 [hbm:s0], s1  }
0x159: {  	s0 =	simm.s32 @!p0 $0x2  }
0x15a: {  	_ =	swait.ge @!p0 [sflag:s0], s1  }
0x15b: {  	s1 =	ssub.s32 @!p0 $0x0, s1;
	[sflag:s0] =	ssyncset.done @!p0 $0x0  }
0x15c: {  	[sflag:s0] =	ssyncadd.s32 @!p0 s1  }
0x15d: {  	[bflag:$0x3] =	sbarrier.arrive $0xFFFF  }
0x15e: {  	_ =	shalt  }

</sc_bundles>
